<compile_context>
chip_gen: v7x
topology: tpu7x:2x2x1
jax: 0.10.2.dev20260603
libtpu: 0.0.44.dev20260713+nightly
codegen_flags: <defaults>
</compile_context>

<pallas_src>
import functools

import jax
import jax.numpy as jnp
from jax import lax
from jax.experimental import pallas as pl
from jax.experimental.pallas import tpu as pltpu
from jax.experimental.pallas import tpu_sc as plsc

VOCAB = 100000
EMBED_DIM = 300
BATCH = 4096
SIGNAL_LEN = 20

B = BATCH * SIGNAL_LEN
SEG = 3
SW = 128
TAIL = EMBED_DIM - 2 * SW
NSEG = B * SEG
NC, NS = 2, 16
NW = NC * NS
SEG_PER_W = NSEG // NW
CHUNK = 128
NCH = SEG_PER_W // CHUNK
NBUF = 4

_mesh = plsc.VectorSubcoreMesh(core_axis_name="c", subcore_axis_name="s")


@functools.partial(
    pl.kernel,
    mesh=_mesh,
    out_type=jax.ShapeDtypeStruct((NSEG, SW), jnp.float32),
    compiler_params=pltpu.CompilerParams(use_tc_tiling_on_sc=False),
    scratch_types=[
        pltpu.VMEM((SEG_PER_W,), jnp.int32),
        pltpu.VMEM((NBUF, CHUNK, SW), jnp.float32),
        [pltpu.SemaphoreType.DMA] * NBUF,
        [pltpu.SemaphoreType.DMA] * NBUF,
    ],
)
def _embed_lookup(idx_hbm, table_hbm, out_hbm, idx_v, rows_v, gsems, ssems):
    wid = lax.axis_index("s") * NC + lax.axis_index("c")
    base = wid * SEG_PER_W
    pltpu.sync_copy(idx_hbm.at[pl.ds(base, SEG_PER_W)], idx_v)

    def idx_slice(c):
        return idx_v.at[pl.ds(pl.multiple_of(c * CHUNK, CHUNK), CHUNK)]

    def out_slice(c):
        return out_hbm.at[pl.ds(pl.multiple_of(base + c * CHUNK, CHUNK), CHUNK)]

    def start_gather(c, b):
        return pltpu.make_async_copy(
            table_hbm.at[idx_slice(c)], rows_v.at[b], gsems[b]).start()

    def wait_gather(b):
        pltpu.make_async_copy(
            table_hbm.at[idx_slice(0)], rows_v.at[b], gsems[b]).wait()

    def start_scatter(c, b):
        return pltpu.make_async_copy(rows_v.at[b], out_slice(c), ssems[b]).start()

    def wait_scatter(b):
        pltpu.make_async_copy(rows_v.at[0], out_slice(0), ssems[b]).wait()

    for b in range(NBUF):
        start_gather(b, b)

    def body(g, carry):
        c0 = g * NBUF
        for b in range(NBUF):
            wait_gather(b)
            start_scatter(c0 + b, b)
        for b in range(NBUF):
            wait_scatter(b)
            start_gather(c0 + NBUF + b, b)
        return carry

    lax.fori_loop(0, NCH // NBUF - 1, body, 0)

    c0 = NCH - NBUF
    for b in range(NBUF):
        wait_gather(b)
        start_scatter(c0 + b, b)
    for b in range(NBUF):
        wait_scatter(b)


_PRE_R = 2000


def _pre_body(x_ref, o_ref):
    o_ref[pl.ds(0, _PRE_R), :] = x_ref[:, pl.ds(0, SW)]
    o_ref[pl.ds(_PRE_R, _PRE_R), :] = x_ref[:, pl.ds(SW, SW)]
    o_ref[pl.ds(2 * _PRE_R, _PRE_R), pl.ds(0, TAIL)] = x_ref[:, pl.ds(2 * SW, TAIL)]


_pre = pl.pallas_call(
    _pre_body,
    grid=(VOCAB // _PRE_R,),
    in_specs=[pl.BlockSpec((_PRE_R, EMBED_DIM), lambda i: (i, 0))],
    out_specs=pl.BlockSpec((SEG * _PRE_R, SW), lambda i: (i, 0)),
    out_shape=jax.ShapeDtypeStruct((SEG * VOCAB, SW), jnp.float32),
)


_POST_BB = 128


def _post_body(x0_ref, x1_ref, x2_ref, o_ref):
    o_ref[:, :, pl.ds(0, SW)] = x0_ref[...].reshape(_POST_BB, SIGNAL_LEN, SW)
    o_ref[:, :, pl.ds(SW, SW)] = x1_ref[...].reshape(_POST_BB, SIGNAL_LEN, SW)
    o_ref[:, :, pl.ds(2 * SW, TAIL)] = (
        x2_ref[...].reshape(_POST_BB, SIGNAL_LEN, SW)[:, :, :TAIL])


def _post_in_spec(ct):
    return pl.BlockSpec((_POST_BB * SIGNAL_LEN, SW),
                        lambda ib: (ct * (BATCH // _POST_BB) + ib, 0))


_post = pl.pallas_call(
    _post_body,
    grid=(BATCH // _POST_BB,),
    in_specs=[_post_in_spec(0), _post_in_spec(1), _post_in_spec(2)],
    out_specs=pl.BlockSpec((_POST_BB, SIGNAL_LEN, EMBED_DIM),
                           lambda ib: (ib, 0, 0)),
    out_shape=jax.ShapeDtypeStruct((BATCH, SIGNAL_LEN, EMBED_DIM), jnp.float32),
)


def kernel(news_batch, table):
    idx = news_batch.reshape(-1)
    blk = idx // _PRE_R
    off = idx % _PRE_R
    seg0 = blk * (SEG * _PRE_R) + off
    idx2 = (jnp.arange(SEG, dtype=jnp.int32)[:, None] * _PRE_R
            + seg0[None, :]).reshape(-1)
    t2 = _pre(table)
    o2 = _embed_lookup(idx2, t2)
    return _post(o2, o2, o2)

# --- scband reference (transcript-rebuilt; emitter-appended) ---
"""Pipeline reference for scband-glove-embedding-40750649704892 (READ-ONLY COPY).

The authoritative reference and input builder live on the scoring server;
editing this copy changes nothing except your own understanding.
"""

import jax, jax.numpy as jnp
import numpy as np

VOCAB = 100000
EMBED_DIM = 300
BATCH = 4096
SIGNAL_LEN = 20

def setup_inputs(seed: int = 0) -> dict:
    key = jax.random.key(seed)
    k_idx, k_tab = jax.random.split(key)
    news_batch = jax.random.randint(k_idx, (BATCH, SIGNAL_LEN), 0, VOCAB, dtype=jnp.int32)
    # pretrained GloVe table materialized as a learned parameter (freeze=False)
    table = jax.random.normal(k_tab, (VOCAB, EMBED_DIM), dtype=jnp.float32)
    return {"news_batch": news_batch, "table": table}

def reference(news_batch, table):
    # embedding lookup: [batch, signal_length] -> [batch, signal_length, embedding_dim]
    embedding = jnp.take(table, news_batch, axis=0)
    # dropout is identity in eval/deterministic reference mode
    return embedding

if __name__ == "__main__":
    import jax
    _d = setup_inputs()
    print(jax.jit(kernel)(*tuple(_d.values())))

</pallas_src>

<mosaic_0001>
#map = affine_map<(d0, d1) -> (0)>
#map1 = affine_map<(d0, d1) -> (0, 0)>
module attributes {stable_mosaic.version = 14 : i64} {
  func.func @_embed_lookup(%arg0: i32, %arg1: i32, %arg2: memref<245760xi32, #tpu.memory_space<hbm>>, %arg3: memref<300000x128xf32, #tpu.memory_space<hbm>>, %arg4: memref<245760x128xf32, #tpu.memory_space<hbm>>, %arg5: memref<7680xi32, #tpu.memory_space<vmem>>, %arg6: memref<4x128x128xf32, #tpu.memory_space<vmem>>, %arg7: memref<!tpu.dma_semaphore, #tpu.memory_space<semaphore_mem>>, %arg8: memref<!tpu.dma_semaphore, #tpu.memory_space<semaphore_mem>>, %arg9: memref<!tpu.dma_semaphore, #tpu.memory_space<semaphore_mem>>, %arg10: memref<!tpu.dma_semaphore, #tpu.memory_space<semaphore_mem>>, %arg11: memref<!tpu.dma_semaphore, #tpu.memory_space<semaphore_mem>>, %arg12: memref<!tpu.dma_semaphore, #tpu.memory_space<semaphore_mem>>, %arg13: memref<!tpu.dma_semaphore, #tpu.memory_space<semaphore_mem>>, %arg14: memref<!tpu.dma_semaphore, #tpu.memory_space<semaphore_mem>>) attributes {dimension_semantics = [#tpu.dimension_semantics<core_parallel>, #tpu.dimension_semantics<subcore_parallel>], iteration_bounds = array<i64: 2, 16>, scalar_prefetch = 0 : i64, scratch_operands = 10 : i64, tpu.core_type = #tpu.core_type<sc_vector_subcore>, window_params = [{transform_indices = #map}, {transform_indices = #map1}, {transform_indices = #map1}]} {
    %mul3A = arith.constant 2 : i32
    %mul3A_0 = arith.muli %arg1, %mul3A : i32
    %add3A = arith.addi %mul3A_0, %arg0 : i32
    %mul3A_1 = arith.constant 7680 : i32
    %mul3A_2 = arith.muli %add3A, %mul3A_1 : i32
    "tpu.region"() ({
      %run_scoped3A = tpu.sem_alloc : memref<!tpu.dma_semaphore, #tpu.memory_space<semaphore_mem>>
      %dma_start3A_221 = tpu.memref_slice %arg2[%mul3A_2] : memref<245760xi32, #tpu.memory_space<hbm>> -> memref<7680xi32, #tpu.memory_space<hbm>>
      %dma_start3A_222 = tpu.memref_slice %arg2[%mul3A_2] : memref<245760xi32, #tpu.memory_space<hbm>> -> memref<7680xi32, #tpu.memory_space<hbm>>
      tpu.enqueue_dma source(%dma_start3A_222 : memref<7680xi32, #tpu.memory_space<hbm>>) target(%arg5 : memref<7680xi32, #tpu.memory_space<vmem>>) target_semaphore(%run_scoped3A : memref<!tpu.dma_semaphore, #tpu.memory_space<semaphore_mem>>)
      %dma_wait3A_223 = tpu.memref_slice %arg2[%mul3A_2] : memref<245760xi32, #tpu.memory_space<hbm>> -> memref<7680xi32, #tpu.memory_space<hbm>>
      %dma_wait3A_224 = tpu.memref_slice %arg2[%mul3A_2] : memref<245760xi32, #tpu.memory_space<hbm>> -> memref<7680xi32, #tpu.memory_space<hbm>>
      tpu.wait_dma2 semaphore(%run_scoped3A : memref<!tpu.dma_semaphore, #tpu.memory_space<semaphore_mem>>) src(%dma_wait3A_224 : memref<7680xi32, #tpu.memory_space<hbm>>) dst(%arg5 : memref<7680xi32, #tpu.memory_space<vmem>>)
      tpu.yield
    }) : () -> ()
    %multiple_of3A = arith.constant 0 : i32
    %multiple_of3A_3 = tpu.assume_multiple %multiple_of3A, 128 : i32
    %dma_start3A = arith.constant 0 : i32
    %dma_start3A_4 = arith.constant 0 : i32
    %dma_start3A_5 = arith.constant 0 : i32
    %dma_start3A_6 = tpu.memref_slice %arg6[%dma_start3A, %dma_start3A_4, %dma_start3A_5] : memref<4x128x128xf32, #tpu.memory_space<vmem>> -> memref<1x128x128xf32, #tpu.memory_space<vmem>>
    %dma_start3A_7 = tpu.memref_squeeze %dma_start3A_6 : memref<1x128x128xf32, #tpu.memory_space<vmem>> -> memref<128x128xf32, #tpu.memory_space<vmem>>
    %dma_start3A_8 = tpu.memref_slice %arg5[%multiple_of3A_3] : memref<7680xi32, #tpu.memory_space<vmem>> -> memref<128xi32, #tpu.memory_space<vmem>>
    %dma_start3A_9 = arith.constant 0 : i32
    %dma_start3A_10 = arith.constant 0 : i32
    %dma_start3A_11 = tpu.memref_slice %arg3[%dma_start3A_9, %dma_start3A_10] : memref<300000x128xf32, #tpu.memory_space<hbm>> -> memref<300000x128xf32, #tpu.memory_space<hbm>>
    tpu.enqueue_indirect_dma source(%dma_start3A_11 : memref<300000x128xf32, #tpu.memory_space<hbm>>) target(%dma_start3A_7 : memref<128x128xf32, #tpu.memory_space<vmem>>) offsets(%dma_start3A_8 : memref<128xi32, #tpu.memory_space<vmem>>) semaphore(%arg7 : memref<!tpu.dma_semaphore, #tpu.memory_space<semaphore_mem>>)
    %multiple_of3A_12 = arith.constant 128 : i32
    %multiple_of3A_13 = tpu.assume_multiple %multiple_of3A_12, 128 : i32
    %dma_start3A_14 = arith.constant 1 : i32
    %dma_start3A_15 = arith.constant 0 : i32
    %dma_start3A_16 = arith.constant 0 : i32
    %dma_start3A_17 = tpu.memref_slice %arg6[%dma_start3A_14, %dma_start3A_15, %dma_start3A_16] : memref<4x128x128xf32, #tpu.memory_space<vmem>> -> memref<1x128x128xf32, #tpu.memory_space<vmem>>
    %dma_start3A_18 = tpu.memref_squeeze %dma_start3A_17 : memref<1x128x128xf32, #tpu.memory_space<vmem>> -> memref<128x128xf32, #tpu.memory_space<vmem>>
    %dma_start3A_19 = tpu.memref_slice %arg5[%multiple_of3A_13] : memref<7680xi32, #tpu.memory_space<vmem>> -> memref<128xi32, #tpu.memory_space<vmem>>
    %dma_start3A_20 = arith.constant 0 : i32
    %dma_start3A_21 = arith.constant 0 : i32
    %dma_start3A_22 = tpu.memref_slice %arg3[%dma_start3A_20, %dma_start3A_21] : memref<300000x128xf32, #tpu.memory_space<hbm>> -> memref<300000x128xf32, #tpu.memory_space<hbm>>
    tpu.enqueue_indirect_dma source(%dma_start3A_22 : memref<300000x128xf32, #tpu.memory_space<hbm>>) target(%dma_start3A_18 : memref<128x128xf32, #tpu.memory_space<vmem>>) offsets(%dma_start3A_19 : memref<128xi32, #tpu.memory_space<vmem>>) semaphore(%arg8 : memref<!tpu.dma_semaphore, #tpu.memory_space<semaphore_mem>>)
    %multiple_of3A_23 = arith.constant 256 : i32
    %multiple_of3A_24 = tpu.assume_multiple %multiple_of3A_23, 128 : i32
    %dma_start3A_25 = arith.constant 2 : i32
    %dma_start3A_26 = arith.constant 0 : i32
    %dma_start3A_27 = arith.constant 0 : i32
    %dma_start3A_28 = tpu.memref_slice %arg6[%dma_start3A_25, %dma_start3A_26, %dma_start3A_27] : memref<4x128x128xf32, #tpu.memory_space<vmem>> -> memref<1x128x128xf32, #tpu.memory_space<vmem>>
    %dma_start3A_29 = tpu.memref_squeeze %dma_start3A_28 : memref<1x128x128xf32, #tpu.memory_space<vmem>> -> memref<128x128xf32, #tpu.memory_space<vmem>>
    %dma_start3A_30 = tpu.memref_slice %arg5[%multiple_of3A_24] : memref<7680xi32, #tpu.memory_space<vmem>> -> memref<128xi32, #tpu.memory_space<vmem>>
    %dma_start3A_31 = arith.constant 0 : i32
    %dma_start3A_32 = arith.constant 0 : i32
    %dma_start3A_33 = tpu.memref_slice %arg3[%dma_start3A_31, %dma_start3A_32] : memref<300000x128xf32, #tpu.memory_space<hbm>> -> memref<300000x128xf32, #tpu.memory_space<hbm>>
    tpu.enqueue_indirect_dma source(%dma_start3A_33 : memref<300000x128xf32, #tpu.memory_space<hbm>>) target(%dma_start3A_29 : memref<128x128xf32, #tpu.memory_space<vmem>>) offsets(%dma_start3A_30 : memref<128xi32, #tpu.memory_space<vmem>>) semaphore(%arg9 : memref<!tpu.dma_semaphore, #tpu.memory_space<semaphore_mem>>)
    %multiple_of3A_34 = arith.constant 384 : i32
    %multiple_of3A_35 = tpu.assume_multiple %multiple_of3A_34, 128 : i32
    %dma_start3A_36 = arith.constant 3 : i32
    %dma_start3A_37 = arith.constant 0 : i32
    %dma_start3A_38 = arith.constant 0 : i32
    %dma_start3A_39 = tpu.memref_slice %arg6[%dma_start3A_36, %dma_start3A_37, %dma_start3A_38] : memref<4x128x128xf32, #tpu.memory_space<vmem>> -> memref<1x128x128xf32, #tpu.memory_space<vmem>>
    %dma_start3A_40 = tpu.memref_squeeze %dma_start3A_39 : memref<1x128x128xf32, #tpu.memory_space<vmem>> -> memref<128x128xf32, #tpu.memory_space<vmem>>
    %dma_start3A_41 = tpu.memref_slice %arg5[%multiple_of3A_35] : memref<7680xi32, #tpu.memory_space<vmem>> -> memref<128xi32, #tpu.memory_space<vmem>>
    %dma_start3A_42 = arith.constant 0 : i32
    %dma_start3A_43 = arith.constant 0 : i32
    %dma_start3A_44 = tpu.memref_slice %arg3[%dma_start3A_42, %dma_start3A_43] : memref<300000x128xf32, #tpu.memory_space<hbm>> -> memref<300000x128xf32, #tpu.memory_space<hbm>>
    tpu.enqueue_indirect_dma source(%dma_start3A_44 : memref<300000x128xf32, #tpu.memory_space<hbm>>) target(%dma_start3A_40 : memref<128x128xf32, #tpu.memory_space<vmem>>) offsets(%dma_start3A_41 : memref<128xi32, #tpu.memory_space<vmem>>) semaphore(%arg10 : memref<!tpu.dma_semaphore, #tpu.memory_space<semaphore_mem>>)
    %scan3A = arith.constant 0 : i32
    %scan3A_45 = arith.constant 0 : i32
    %scan3A_46 = arith.constant 14 : i32
    %scan3A_47 = arith.addi %scan3A_45, %scan3A_46 : i32
    %scan3A_48 = arith.constant 1 : i32
    scf.for %scan3A_221 = %scan3A_45 to %scan3A_47 step %scan3A_48  : i32 {
      %mul3A_222 = arith.constant 4 : i32
      %mul3A_223 = arith.muli %scan3A_221, %mul3A_222 : i32
      %multiple_of3A_224 = arith.constant 0 : i32
      %multiple_of3A_225 = tpu.assume_multiple %multiple_of3A_224, 128 : i32
      %dma_wait3A_226 = arith.constant 0 : i32
      %dma_wait3A_227 = arith.constant 0 : i32
      %dma_wait3A_228 = arith.constant 0 : i32
      %dma_wait3A_229 = tpu.memref_slice %arg6[%dma_wait3A_226, %dma_wait3A_227, %dma_wait3A_228] : memref<4x128x128xf32, #tpu.memory_space<vmem>> -> memref<1x128x128xf32, #tpu.memory_space<vmem>>
      %dma_wait3A_230 = tpu.memref_squeeze %dma_wait3A_229 : memref<1x128x128xf32, #tpu.memory_space<vmem>> -> memref<128x128xf32, #tpu.memory_space<vmem>>
      %dma_wait3A_231 = tpu.memref_slice %arg5[%multiple_of3A_225] : memref<7680xi32, #tpu.memory_space<vmem>> -> memref<128xi32, #tpu.memory_space<vmem>>
      %dma_wait3A_232 = arith.constant 0 : i32
      %dma_wait3A_233 = arith.constant 0 : i32
      %dma_wait3A_234 = tpu.memref_slice %arg3[%dma_wait3A_232, %dma_wait3A_233] : memref<300000x128xf32, #tpu.memory_space<hbm>> -> memref<300000x128xf32, #tpu.memory_space<hbm>>
      tpu.wait_indirect_dma semaphore(%arg7 : memref<!tpu.dma_semaphore, #tpu.memory_space<semaphore_mem>>) src(%dma_wait3A_234 : memref<300000x128xf32, #tpu.memory_space<hbm>>) dst(%dma_wait3A_230 : memref<128x128xf32, #tpu.memory_space<vmem>>)
      %add3A_235 = arith.constant 0 : i32
      %add3A_236 = arith.addi %mul3A_223, %add3A_235 : i32
      %mul3A_237 = arith.constant 128 : i32
      %mul3A_238 = arith.muli %add3A_236, %mul3A_237 : i32
      %add3A_239 = arith.addi %mul3A_2, %mul3A_238 : i32
      %multiple_of3A_240 = tpu.assume_multiple %add3A_239, 128 : i32
      %dma_start3A_241 = arith.constant 0 : i32
      %dma_start3A_242 = arith.constant 0 : i32
      %dma_start3A_243 = arith.constant 0 : i32
      %dma_start3A_244 = tpu.memref_slice %arg6[%dma_start3A_241, %dma_start3A_242, %dma_start3A_243] : memref<4x128x128xf32, #tpu.memory_space<vmem>> -> memref<1x128x128xf32, #tpu.memory_space<vmem>>
      %dma_start3A_245 = tpu.memref_squeeze %dma_start3A_244 : memref<1x128x128xf32, #tpu.memory_space<vmem>> -> memref<128x128xf32, #tpu.memory_space<vmem>>
      %dma_start3A_246 = arith.constant 0 : i32
      %dma_start3A_247 = tpu.memref_slice %arg4[%multiple_of3A_240, %dma_start3A_246] : memref<245760x128xf32, #tpu.memory_space<hbm>> -> memref<128x128xf32, #tpu.memory_space<hbm>>
      %dma_start3A_248 = arith.constant 0 : i32
      %dma_start3A_249 = tpu.memref_slice %arg4[%multiple_of3A_240, %dma_start3A_248] : memref<245760x128xf32, #tpu.memory_space<hbm>> -> memref<128x128xf32, #tpu.memory_space<hbm>>
      %dma_start3A_250 = arith.constant 0 : i32
      %dma_start3A_251 = arith.constant 0 : i32
      %dma_start3A_252 = tpu.memref_slice %arg6[%dma_start3A_241, %dma_start3A_250, %dma_start3A_251] : memref<4x128x128xf32, #tpu.memory_space<vmem>> -> memref<1x128x128xf32, #tpu.memory_space<vmem>>
      %dma_start3A_253 = tpu.memref_squeeze %dma_start3A_252 : memref<1x128x128xf32, #tpu.memory_space<vmem>> -> memref<128x128xf32, #tpu.memory_space<vmem>>
      tpu.enqueue_dma source(%dma_start3A_253 : memref<128x128xf32, #tpu.memory_space<vmem>>) target(%dma_start3A_249 : memref<128x128xf32, #tpu.memory_space<hbm>>) target_semaphore(%arg11 : memref<!tpu.dma_semaphore, #tpu.memory_space<semaphore_mem>>)
      %multiple_of3A_254 = arith.constant 0 : i32
      %multiple_of3A_255 = tpu.assume_multiple %multiple_of3A_254, 128 : i32
      %dma_wait3A_256 = arith.constant 1 : i32
      %dma_wait3A_257 = arith.constant 0 : i32
      %dma_wait3A_258 = arith.constant 0 : i32
      %dma_wait3A_259 = tpu.memref_slice %arg6[%dma_wait3A_256, %dma_wait3A_257, %dma_wait3A_258] : memref<4x128x128xf32, #tpu.memory_space<vmem>> -> memref<1x128x128xf32, #tpu.memory_space<vmem>>
      %dma_wait3A_260 = tpu.memref_squeeze %dma_wait3A_259 : memref<1x128x128xf32, #tpu.memory_space<vmem>> -> memref<128x128xf32, #tpu.memory_space<vmem>>
      %dma_wait3A_261 = tpu.memref_slice %arg5[%multiple_of3A_255] : memref<7680xi32, #tpu.memory_space<vmem>> -> memref<128xi32, #tpu.memory_space<vmem>>
      %dma_wait3A_262 = arith.constant 0 : i32
      %dma_wait3A_263 = arith.constant 0 : i32
      %dma_wait3A_264 = tpu.memref_slice %arg3[%dma_wait3A_262, %dma_wait3A_263] : memref<300000x128xf32, #tpu.memory_space<hbm>> -> memref<300000x128xf32, #tpu.memory_space<hbm>>
      tpu.wait_indirect_dma semaphore(%arg8 : memref<!tpu.dma_semaphore, #tpu.memory_space<semaphore_mem>>) src(%dma_wait3A_264 : memref<300000x128xf32, #tpu.memory_space<hbm>>) dst(%dma_wait3A_260 : memref<128x128xf32, #tpu.memory_space<vmem>>)
      %add3A_265 = arith.constant 1 : i32
      %add3A_266 = arith.addi %mul3A_223, %add3A_265 : i32
      %mul3A_267 = arith.constant 128 : i32
      %mul3A_268 = arith.muli %add3A_266, %mul3A_267 : i32
      %add3A_269 = arith.addi %mul3A_2, %mul3A_268 : i32
      %multiple_of3A_270 = tpu.assume_multiple %add3A_269, 128 : i32
      %dma_start3A_271 = arith.constant 1 : i32
      %dma_start3A_272 = arith.constant 0 : i32
      %dma_start3A_273 = arith.constant 0 : i32
      %dma_start3A_274 = tpu.memref_slice %arg6[%dma_start3A_271, %dma_start3A_272, %dma_start3A_273] : memref<4x128x128xf32, #tpu.memory_space<vmem>> -> memref<1x128x128xf32, #tpu.memory_space<vmem>>
      %dma_start3A_275 = tpu.memref_squeeze %dma_start3A_274 : memref<1x128x128xf32, #tpu.memory_space<vmem>> -> memref<128x128xf32, #tpu.memory_space<vmem>>
      %dma_start3A_276 = arith.constant 0 : i32
      %dma_start3A_277 = tpu.memref_slice %arg4[%multiple_of3A_270, %dma_start3A_276] : memref<245760x128xf32, #tpu.memory_space<hbm>> -> memref<128x128xf32, #tpu.memory_space<hbm>>
      %dma_start3A_278 = arith.constant 0 : i32
      %dma_start3A_279 = tpu.memref_slice %arg4[%multiple_of3A_270, %dma_start3A_278] : memref<245760x128xf32, #tpu.memory_space<hbm>> -> memref<128x128xf32, #tpu.memory_space<hbm>>
      %dma_start3A_280 = arith.constant 0 : i32
      %dma_start3A_281 = arith.constant 0 : i32
      %dma_start3A_282 = tpu.memref_slice %arg6[%dma_start3A_271, %dma_start3A_280, %dma_start3A_281] : memref<4x128x128xf32, #tpu.memory_space<vmem>> -> memref<1x128x128xf32, #tpu.memory_space<vmem>>
      %dma_start3A_283 = tpu.memref_squeeze %dma_start3A_282 : memref<1x128x128xf32, #tpu.memory_space<vmem>> -> memref<128x128xf32, #tpu.memory_space<vmem>>
      tpu.enqueue_dma source(%dma_start3A_283 : memref<128x128xf32, #tpu.memory_space<vmem>>) target(%dma_start3A_279 : memref<128x128xf32, #tpu.memory_space<hbm>>) target_semaphore(%arg12 : memref<!tpu.dma_semaphore, #tpu.memory_space<semaphore_mem>>)
      %multiple_of3A_284 = arith.constant 0 : i32
      %multiple_of3A_285 = tpu.assume_multiple %multiple_of3A_284, 128 : i32
      %dma_wait3A_286 = arith.constant 2 : i32
      %dma_wait3A_287 = arith.constant 0 : i32
      %dma_wait3A_288 = arith.constant 0 : i32
      %dma_wait3A_289 = tpu.memref_slice %arg6[%dma_wait3A_286, %dma_wait3A_287, %dma_wait3A_288] : memref<4x128x128xf32, #tpu.memory_space<vmem>> -> memref<1x128x128xf32, #tpu.memory_space<vmem>>
      %dma_wait3A_290 = tpu.memref_squeeze %dma_wait3A_289 : memref<1x128x128xf32, #tpu.memory_space<vmem>> -> memref<128x128xf32, #tpu.memory_space<vmem>>
      %dma_wait3A_291 = tpu.memref_slice %arg5[%multiple_of3A_285] : memref<7680xi32, #tpu.memory_space<vmem>> -> memref<128xi32, #tpu.memory_space<vmem>>
      %dma_wait3A_292 = arith.constant 0 : i32
      %dma_wait3A_293 = arith.constant 0 : i32
      %dma_wait3A_294 = tpu.memref_slice %arg3[%dma_wait3A_292, %dma_wait3A_293] : memref<300000x128xf32, #tpu.memory_space<hbm>> -> memref<300000x128xf32, #tpu.memory_space<hbm>>
      tpu.wait_indirect_dma semaphore(%arg9 : memref<!tpu.dma_semaphore, #tpu.memory_space<semaphore_mem>>) src(%dma_wait3A_294 : memref<300000x128xf32, #tpu.memory_space<hbm>>) dst(%dma_wait3A_290 : memref<128x128xf32, #tpu.memory_space<vmem>>)
      %add3A_295 = arith.constant 2 : i32
      %add3A_296 = arith.addi %mul3A_223, %add3A_295 : i32
      %mul3A_297 = arith.constant 128 : i32
      %mul3A_298 = arith.muli %add3A_296, %mul3A_297 : i32
      %add3A_299 = arith.addi %mul3A_2, %mul3A_298 : i32
      %multiple_of3A_300 = tpu.assume_multiple %add3A_299, 128 : i32
      %dma_start3A_301 = arith.constant 2 : i32
      %dma_start3A_302 = arith.constant 0 : i32
      %dma_start3A_303 = arith.constant 0 : i32
      %dma_start3A_304 = tpu.memref_slice %arg6[%dma_start3A_301, %dma_start3A_302, %dma_start3A_303] : memref<4x128x128xf32, #tpu.memory_space<vmem>> -> memref<1x128x128xf32, #tpu.memory_space<vmem>>
      %dma_start3A_305 = tpu.memref_squeeze %dma_start3A_304 : memref<1x128x128xf32, #tpu.memory_space<vmem>> -> memref<128x128xf32, #tpu.memory_space<vmem>>
      %dma_start3A_306 = arith.constant 0 : i32
      %dma_start3A_307 = tpu.memref_slice %arg4[%multiple_of3A_300, %dma_start3A_306] : memref<245760x128xf32, #tpu.memory_space<hbm>> -> memref<128x128xf32, #tpu.memory_space<hbm>>
      %dma_start3A_308 = arith.constant 0 : i32
      %dma_start3A_309 = tpu.memref_slice %arg4[%multiple_of3A_300, %dma_start3A_308] : memref<245760x128xf32, #tpu.memory_space<hbm>> -> memref<128x128xf32, #tpu.memory_space<hbm>>
      %dma_start3A_310 = arith.constant 0 : i32
      %dma_start3A_311 = arith.constant 0 : i32
      %dma_start3A_312 = tpu.memref_slice %arg6[%dma_start3A_301, %dma_start3A_310, %dma_start3A_311] : memref<4x128x128xf32, #tpu.memory_space<vmem>> -> memref<1x128x128xf32, #tpu.memory_space<vmem>>
      %dma_start3A_313 = tpu.memref_squeeze %dma_start3A_312 : memref<1x128x128xf32, #tpu.memory_space<vmem>> -> memref<128x128xf32, #tpu.memory_space<vmem>>
      tpu.enqueue_dma source(%dma_start3A_313 : memref<128x128xf32, #tpu.memory_space<vmem>>) target(%dma_start3A_309 : memref<128x128xf32, #tpu.memory_space<hbm>>) target_semaphore(%arg13 : memref<!tpu.dma_semaphore, #tpu.memory_space<semaphore_mem>>)
      %multiple_of3A_314 = arith.constant 0 : i32
      %multiple_of3A_315 = tpu.assume_multiple %multiple_of3A_314, 128 : i32
      %dma_wait3A_316 = arith.constant 3 : i32
      %dma_wait3A_317 = arith.constant 0 : i32
      %dma_wait3A_318 = arith.constant 0 : i32
      %dma_wait3A_319 = tpu.memref_slice %arg6[%dma_wait3A_316, %dma_wait3A_317, %dma_wait3A_318] : memref<4x128x128xf32, #tpu.memory_space<vmem>> -> memref<1x128x128xf32, #tpu.memory_space<vmem>>
      %dma_wait3A_320 = tpu.memref_squeeze %dma_wait3A_319 : memref<1x128x128xf32, #tpu.memory_space<vmem>> -> memref<128x128xf32, #tpu.memory_space<vmem>>
      %dma_wait3A_321 = tpu.memref_slice %arg5[%multiple_of3A_315] : memref<7680xi32, #tpu.memory_space<vmem>> -> memref<128xi32, #tpu.memory_space<vmem>>
      %dma_wait3A_322 = arith.constant 0 : i32
      %dma_wait3A_323 = arith.constant 0 : i32
      %dma_wait3A_324 = tpu.memref_slice %arg3[%dma_wait3A_322, %dma_wait3A_323] : memref<300000x128xf32, #tpu.memory_space<hbm>> -> memref<300000x128xf32, #tpu.memory_space<hbm>>
      tpu.wait_indirect_dma semaphore(%arg10 : memref<!tpu.dma_semaphore, #tpu.memory_space<semaphore_mem>>) src(%dma_wait3A_324 : memref<300000x128xf32, #tpu.memory_space<hbm>>) dst(%dma_wait3A_320 : memref<128x128xf32, #tpu.memory_space<vmem>>)
      %add3A_325 = arith.constant 3 : i32
      %add3A_326 = arith.addi %mul3A_223, %add3A_325 : i32
      %mul3A_327 = arith.constant 128 : i32
      %mul3A_328 = arith.muli %add3A_326, %mul3A_327 : i32
      %add3A_329 = arith.addi %mul3A_2, %mul3A_328 : i32
      %multiple_of3A_330 = tpu.assume_multiple %add3A_329, 128 : i32
      %dma_start3A_331 = arith.constant 3 : i32
      %dma_start3A_332 = arith.constant 0 : i32
      %dma_start3A_333 = arith.constant 0 : i32
      %dma_start3A_334 = tpu.memref_slice %arg6[%dma_start3A_331, %dma_start3A_332, %dma_start3A_333] : memref<4x128x128xf32, #tpu.memory_space<vmem>> -> memref<1x128x128xf32, #tpu.memory_space<vmem>>
      %dma_start3A_335 = tpu.memref_squeeze %dma_start3A_334 : memref<1x128x128xf32, #tpu.memory_space<vmem>> -> memref<128x128xf32, #tpu.memory_space<vmem>>
      %dma_start3A_336 = arith.constant 0 : i32
      %dma_start3A_337 = tpu.memref_slice %arg4[%multiple_of3A_330, %dma_start3A_336] : memref<245760x128xf32, #tpu.memory_space<hbm>> -> memref<128x128xf32, #tpu.memory_space<hbm>>
      %dma_start3A_338 = arith.constant 0 : i32
      %dma_start3A_339 = tpu.memref_slice %arg4[%multiple_of3A_330, %dma_start3A_338] : memref<245760x128xf32, #tpu.memory_space<hbm>> -> memref<128x128xf32, #tpu.memory_space<hbm>>
      %dma_start3A_340 = arith.constant 0 : i32
      %dma_start3A_341 = arith.constant 0 : i32
      %dma_start3A_342 = tpu.memref_slice %arg6[%dma_start3A_331, %dma_start3A_340, %dma_start3A_341] : memref<4x128x128xf32, #tpu.memory_space<vmem>> -> memref<1x128x128xf32, #tpu.memory_space<vmem>>
      %dma_start3A_343 = tpu.memref_squeeze %dma_start3A_342 : memref<1x128x128xf32, #tpu.memory_space<vmem>> -> memref<128x128xf32, #tpu.memory_space<vmem>>
      tpu.enqueue_dma source(%dma_start3A_343 : memref<128x128xf32, #tpu.memory_space<vmem>>) target(%dma_start3A_339 : memref<128x128xf32, #tpu.memory_space<hbm>>) target_semaphore(%arg14 : memref<!tpu.dma_semaphore, #tpu.memory_space<semaphore_mem>>)
      %add3A_344 = arith.constant 0 : i32
      %add3A_345 = arith.addi %mul3A_2, %add3A_344 : i32
      %multiple_of3A_346 = tpu.assume_multiple %add3A_345, 128 : i32
      %dma_wait3A_347 = arith.constant 0 : i32
      %dma_wait3A_348 = arith.constant 0 : i32
      %dma_wait3A_349 = arith.constant 0 : i32
      %dma_wait3A_350 = tpu.memref_slice %arg6[%dma_wait3A_347, %dma_wait3A_348, %dma_wait3A_349] : memref<4x128x128xf32, #tpu.memory_space<vmem>> -> memref<1x128x128xf32, #tpu.memory_space<vmem>>
      %dma_wait3A_351 = tpu.memref_squeeze %dma_wait3A_350 : memref<1x128x128xf32, #tpu.memory_space<vmem>> -> memref<128x128xf32, #tpu.memory_space<vmem>>
      %dma_wait3A_352 = arith.constant 0 : i32
      %dma_wait3A_353 = tpu.memref_slice %arg4[%multiple_of3A_346, %dma_wait3A_352] : memref<245760x128xf32, #tpu.memory_space<hbm>> -> memref<128x128xf32, #tpu.memory_space<hbm>>
      %dma_wait3A_354 = arith.constant 0 : i32
      %dma_wait3A_355 = tpu.memref_slice %arg4[%multiple_of3A_346, %dma_wait3A_354] : memref<245760x128xf32, #tpu.memory_space<hbm>> -> memref<128x128xf32, #tpu.memory_space<hbm>>
      %dma_wait3A_356 = arith.constant 0 : i32
      %dma_wait3A_357 = arith.constant 0 : i32
      %dma_wait3A_358 = tpu.memref_slice %arg6[%dma_wait3A_347, %dma_wait3A_356, %dma_wait3A_357] : memref<4x128x128xf32, #tpu.memory_space<vmem>> -> memref<1x128x128xf32, #tpu.memory_space<vmem>>
      %dma_wait3A_359 = tpu.memref_squeeze %dma_wait3A_358 : memref<1x128x128xf32, #tpu.memory_space<vmem>> -> memref<128x128xf32, #tpu.memory_space<vmem>>
      tpu.wait_dma2 semaphore(%arg11 : memref<!tpu.dma_semaphore, #tpu.memory_space<semaphore_mem>>) src(%dma_wait3A_359 : memref<128x128xf32, #tpu.memory_space<vmem>>) dst(%dma_wait3A_355 : memref<128x128xf32, #tpu.memory_space<hbm>>)
      %add3A_360 = arith.constant 4 : i32
      %add3A_361 = arith.addi %mul3A_223, %add3A_360 : i32
      %add3A_362 = arith.constant 0 : i32
      %add3A_363 = arith.addi %add3A_361, %add3A_362 : i32
      %mul3A_364 = arith.constant 128 : i32
      %mul3A_365 = arith.muli %add3A_363, %mul3A_364 : i32
      %multiple_of3A_366 = tpu.assume_multiple %mul3A_365, 128 : i32
      %dma_start3A_367 = arith.constant 0 : i32
      %dma_start3A_368 = arith.constant 0 : i32
      %dma_start3A_369 = arith.constant 0 : i32
      %dma_start3A_370 = tpu.memref_slice %arg6[%dma_start3A_367, %dma_start3A_368, %dma_start3A_369] : memref<4x128x128xf32, #tpu.memory_space<vmem>> -> memref<1x128x128xf32, #tpu.memory_space<vmem>>
      %dma_start3A_371 = tpu.memref_squeeze %dma_start3A_370 : memref<1x128x128xf32, #tpu.memory_space<vmem>> -> memref<128x128xf32, #tpu.memory_space<vmem>>
      %dma_start3A_372 = tpu.memref_slice %arg5[%multiple_of3A_366] : memref<7680xi32, #tpu.memory_space<vmem>> -> memref<128xi32, #tpu.memory_space<vmem>>
      %dma_start3A_373 = arith.constant 0 : i32
      %dma_start3A_374 = arith.constant 0 : i32
      %dma_start3A_375 = tpu.memref_slice %arg3[%dma_start3A_373, %dma_start3A_374] : memref<300000x128xf32, #tpu.memory_space<hbm>> -> memref<300000x128xf32, #tpu.memory_space<hbm>>
      tpu.enqueue_indirect_dma source(%dma_start3A_375 : memref<300000x128xf32, #tpu.memory_space<hbm>>) target(%dma_start3A_371 : memref<128x128xf32, #tpu.memory_space<vmem>>) offsets(%dma_start3A_372 : memref<128xi32, #tpu.memory_space<vmem>>) semaphore(%arg7 : memref<!tpu.dma_semaphore, #tpu.memory_space<semaphore_mem>>)
      %add3A_376 = arith.constant 0 : i32
      %add3A_377 = arith.addi %mul3A_2, %add3A_376 : i32
      %multiple_of3A_378 = tpu.assume_multiple %add3A_377, 128 : i32
      %dma_wait3A_379 = arith.constant 0 : i32
      %dma_wait3A_380 = arith.constant 0 : i32
      %dma_wait3A_381 = arith.constant 0 : i32
      %dma_wait3A_382 = tpu.memref_slice %arg6[%dma_wait3A_379, %dma_wait3A_380, %dma_wait3A_381] : memref<4x128x128xf32, #tpu.memory_space<vmem>> -> memref<1x128x128xf32, #tpu.memory_space<vmem>>
      %dma_wait3A_383 = tpu.memref_squeeze %dma_wait3A_382 : memref<1x128x128xf32, #tpu.memory_space<vmem>> -> memref<128x128xf32, #tpu.memory_space<vmem>>
      %dma_wait3A_384 = arith.constant 0 : i32
      %dma_wait3A_385 = tpu.memref_slice %arg4[%multiple_of3A_378, %dma_wait3A_384] : memref<245760x128xf32, #tpu.memory_space<hbm>> -> memref<128x128xf32, #tpu.memory_space<hbm>>
      %dma_wait3A_386 = arith.constant 0 : i32
      %dma_wait3A_387 = tpu.memref_slice %arg4[%multiple_of3A_378, %dma_wait3A_386] : memref<245760x128xf32, #tpu.memory_space<hbm>> -> memref<128x128xf32, #tpu.memory_space<hbm>>
      %dma_wait3A_388 = arith.constant 0 : i32
      %dma_wait3A_389 = arith.constant 0 : i32
      %dma_wait3A_390 = tpu.memref_slice %arg6[%dma_wait3A_379, %dma_wait3A_388, %dma_wait3A_389] : memref<4x128x128xf32, #tpu.memory_space<vmem>> -> memref<1x128x128xf32, #tpu.memory_space<vmem>>
      %dma_wait3A_391 = tpu.memref_squeeze %dma_wait3A_390 : memref<1x128x128xf32, #tpu.memory_space<vmem>> -> memref<128x128xf32, #tpu.memory_space<vmem>>
      tpu.wait_dma2 semaphore(%arg12 : memref<!tpu.dma_semaphore, #tpu.memory_space<semaphore_mem>>) src(%dma_wait3A_391 : memref<128x128xf32, #tpu.memory_space<vmem>>) dst(%dma_wait3A_387 : memref<128x128xf32, #tpu.memory_space<hbm>>)
      %add3A_392 = arith.constant 4 : i32
      %add3A_393 = arith.addi %mul3A_223, %add3A_392 : i32
      %add3A_394 = arith.constant 1 : i32
      %add3A_395 = arith.addi %add3A_393, %add3A_394 : i32
      %mul3A_396 = arith.constant 128 : i32
      %mul3A_397 = arith.muli %add3A_395, %mul3A_396 : i32
      %multiple_of3A_398 = tpu.assume_multiple %mul3A_397, 128 : i32
      %dma_start3A_399 = arith.constant 1 : i32
      %dma_start3A_400 = arith.constant 0 : i32
      %dma_start3A_401 = arith.constant 0 : i32
      %dma_start3A_402 = tpu.memref_slice %arg6[%dma_start3A_399, %dma_start3A_400, %dma_start3A_401] : memref<4x128x128xf32, #tpu.memory_space<vmem>> -> memref<1x128x128xf32, #tpu.memory_space<vmem>>
      %dma_start3A_403 = tpu.memref_squeeze %dma_start3A_402 : memref<1x128x128xf32, #tpu.memory_space<vmem>> -> memref<128x128xf32, #tpu.memory_space<vmem>>
      %dma_start3A_404 = tpu.memref_slice %arg5[%multiple_of3A_398] : memref<7680xi32, #tpu.memory_space<vmem>> -> memref<128xi32, #tpu.memory_space<vmem>>
      %dma_start3A_405 = arith.constant 0 : i32
      %dma_start3A_406 = arith.constant 0 : i32
      %dma_start3A_407 = tpu.memref_slice %arg3[%dma_start3A_405, %dma_start3A_406] : memref<300000x128xf32, #tpu.memory_space<hbm>> -> memref<300000x128xf32, #tpu.memory_space<hbm>>
      tpu.enqueue_indirect_dma source(%dma_start3A_407 : memref<300000x128xf32, #tpu.memory_space<hbm>>) target(%dma_start3A_403 : memref<128x128xf32, #tpu.memory_space<vmem>>) offsets(%dma_start3A_404 : memref<128xi32, #tpu.memory_space<vmem>>) semaphore(%arg8 : memref<!tpu.dma_semaphore, #tpu.memory_space<semaphore_mem>>)
      %add3A_408 = arith.constant 0 : i32
      %add3A_409 = arith.addi %mul3A_2, %add3A_408 : i32
      %multiple_of3A_410 = tpu.assume_multiple %add3A_409, 128 : i32
      %dma_wait3A_411 = arith.constant 0 : i32
      %dma_wait3A_412 = arith.constant 0 : i32
      %dma_wait3A_413 = arith.constant 0 : i32
      %dma_wait3A_414 = tpu.memref_slice %arg6[%dma_wait3A_411, %dma_wait3A_412, %dma_wait3A_413] : memref<4x128x128xf32, #tpu.memory_space<vmem>> -> memref<1x128x128xf32, #tpu.memory_space<vmem>>
      %dma_wait3A_415 = tpu.memref_squeeze %dma_wait3A_414 : memref<1x128x128xf32, #tpu.memory_space<vmem>> -> memref<128x128xf32, #tpu.memory_space<vmem>>
      %dma_wait3A_416 = arith.constant 0 : i32
      %dma_wait3A_417 = tpu.memref_slice %arg4[%multiple_of3A_410, %dma_wait3A_416] : memref<245760x128xf32, #tpu.memory_space<hbm>> -> memref<128x128xf32, #tpu.memory_space<hbm>>
      %dma_wait3A_418 = arith.constant 0 : i32
      %dma_wait3A_419 = tpu.memref_slice %arg4[%multiple_of3A_410, %dma_wait3A_418] : memref<245760x128xf32, #tpu.memory_space<hbm>> -> memref<128x128xf32, #tpu.memory_space<hbm>>
      %dma_wait3A_420 = arith.constant 0 : i32
      %dma_wait3A_421 = arith.constant 0 : i32
      %dma_wait3A_422 = tpu.memref_slice %arg6[%dma_wait3A_411, %dma_wait3A_420, %dma_wait3A_421] : memref<4x128x128xf32, #tpu.memory_space<vmem>> -> memref<1x128x128xf32, #tpu.memory_space<vmem>>
      %dma_wait3A_423 = tpu.memref_squeeze %dma_wait3A_422 : memref<1x128x128xf32, #tpu.memory_space<vmem>> -> memref<128x128xf32, #tpu.memory_space<vmem>>
      tpu.wait_dma2 semaphore(%arg13 : memref<!tpu.dma_semaphore, #tpu.memory_space<semaphore_mem>>) src(%dma_wait3A_423 : memref<128x128xf32, #tpu.memory_space<vmem>>) dst(%dma_wait3A_419 : memref<128x128xf32, #tpu.memory_space<hbm>>)
      %add3A_424 = arith.constant 4 : i32
      %add3A_425 = arith.addi %mul3A_223, %add3A_424 : i32
      %add3A_426 = arith.constant 2 : i32
      %add3A_427 = arith.addi %add3A_425, %add3A_426 : i32
      %mul3A_428 = arith.constant 128 : i32
      %mul3A_429 = arith.muli %add3A_427, %mul3A_428 : i32
      %multiple_of3A_430 = tpu.assume_multiple %mul3A_429, 128 : i32
      %dma_start3A_431 = arith.constant 2 : i32
      %dma_start3A_432 = arith.constant 0 : i32
      %dma_start3A_433 = arith.constant 0 : i32
      %dma_start3A_434 = tpu.memref_slice %arg6[%dma_start3A_431, %dma_start3A_432, %dma_start3A_433] : memref<4x128x128xf32, #tpu.memory_space<vmem>> -> memref<1x128x128xf32, #tpu.memory_space<vmem>>
      %dma_start3A_435 = tpu.memref_squeeze %dma_start3A_434 : memref<1x128x128xf32, #tpu.memory_space<vmem>> -> memref<128x128xf32, #tpu.memory_space<vmem>>
      %dma_start3A_436 = tpu.memref_slice %arg5[%multiple_of3A_430] : memref<7680xi32, #tpu.memory_space<vmem>> -> memref<128xi32, #tpu.memory_space<vmem>>
      %dma_start3A_437 = arith.constant 0 : i32
      %dma_start3A_438 = arith.constant 0 : i32
      %dma_start3A_439 = tpu.memref_slice %arg3[%dma_start3A_437, %dma_start3A_438] : memref<300000x128xf32, #tpu.memory_space<hbm>> -> memref<300000x128xf32, #tpu.memory_space<hbm>>
      tpu.enqueue_indirect_dma source(%dma_start3A_439 : memref<300000x128xf32, #tpu.memory_space<hbm>>) target(%dma_start3A_435 : memref<128x128xf32, #tpu.memory_space<vmem>>) offsets(%dma_start3A_436 : memref<128xi32, #tpu.memory_space<vmem>>) semaphore(%arg9 : memref<!tpu.dma_semaphore, #tpu.memory_space<semaphore_mem>>)
      %add3A_440 = arith.constant 0 : i32
      %add3A_441 = arith.addi %mul3A_2, %add3A_440 : i32
      %multiple_of3A_442 = tpu.assume_multiple %add3A_441, 128 : i32
      %dma_wait3A_443 = arith.constant 0 : i32
      %dma_wait3A_444 = arith.constant 0 : i32
      %dma_wait3A_445 = arith.constant 0 : i32
      %dma_wait3A_446 = tpu.memref_slice %arg6[%dma_wait3A_443, %dma_wait3A_444, %dma_wait3A_445] : memref<4x128x128xf32, #tpu.memory_space<vmem>> -> memref<1x128x128xf32, #tpu.memory_space<vmem>>
      %dma_wait3A_447 = tpu.memref_squeeze %dma_wait3A_446 : memref<1x128x128xf32, #tpu.memory_space<vmem>> -> memref<128x128xf32, #tpu.memory_space<vmem>>
      %dma_wait3A_448 = arith.constant 0 : i32
      %dma_wait3A_449 = tpu.memref_slice %arg4[%multiple_of3A_442, %dma_wait3A_448] : memref<245760x128xf32, #tpu.memory_space<hbm>> -> memref<128x128xf32, #tpu.memory_space<hbm>>
      %dma_wait3A_450 = arith.constant 0 : i32
      %dma_wait3A_451 = tpu.memref_slice %arg4[%multiple_of3A_442, %dma_wait3A_450] : memref<245760x128xf32, #tpu.memory_space<hbm>> -> memref<128x128xf32, #tpu.memory_space<hbm>>
      %dma_wait3A_452 = arith.constant 0 : i32
      %dma_wait3A_453 = arith.constant 0 : i32
      %dma_wait3A_454 = tpu.memref_slice %arg6[%dma_wait3A_443, %dma_wait3A_452, %dma_wait3A_453] : memref<4x128x128xf32, #tpu.memory_space<vmem>> -> memref<1x128x128xf32, #tpu.memory_space<vmem>>
      %dma_wait3A_455 = tpu.memref_squeeze %dma_wait3A_454 : memref<1x128x128xf32, #tpu.memory_space<vmem>> -> memref<128x128xf32, #tpu.memory_space<vmem>>
      tpu.wait_dma2 semaphore(%arg14 : memref<!tpu.dma_semaphore, #tpu.memory_space<semaphore_mem>>) src(%dma_wait3A_455 : memref<128x128xf32, #tpu.memory_space<vmem>>) dst(%dma_wait3A_451 : memref<128x128xf32, #tpu.memory_space<hbm>>)
      %add3A_456 = arith.constant 4 : i32
      %add3A_457 = arith.addi %mul3A_223, %add3A_456 : i32
      %add3A_458 = arith.constant 3 : i32
      %add3A_459 = arith.addi %add3A_457, %add3A_458 : i32
      %mul3A_460 = arith.constant 128 : i32
      %mul3A_461 = arith.muli %add3A_459, %mul3A_460 : i32
      %multiple_of3A_462 = tpu.assume_multiple %mul3A_461, 128 : i32
      %dma_start3A_463 = arith.constant 3 : i32
      %dma_start3A_464 = arith.constant 0 : i32
      %dma_start3A_465 = arith.constant 0 : i32
      %dma_start3A_466 = tpu.memref_slice %arg6[%dma_start3A_463, %dma_start3A_464, %dma_start3A_465] : memref<4x128x128xf32, #tpu.memory_space<vmem>> -> memref<1x128x128xf32, #tpu.memory_space<vmem>>
      %dma_start3A_467 = tpu.memref_squeeze %dma_start3A_466 : memref<1x128x128xf32, #tpu.memory_space<vmem>> -> memref<128x128xf32, #tpu.memory_space<vmem>>
      %dma_start3A_468 = tpu.memref_slice %arg5[%multiple_of3A_462] : memref<7680xi32, #tpu.memory_space<vmem>> -> memref<128xi32, #tpu.memory_space<vmem>>
      %dma_start3A_469 = arith.constant 0 : i32
      %dma_start3A_470 = arith.constant 0 : i32
      %dma_start3A_471 = tpu.memref_slice %arg3[%dma_start3A_469, %dma_start3A_470] : memref<300000x128xf32, #tpu.memory_space<hbm>> -> memref<300000x128xf32, #tpu.memory_space<hbm>>
      tpu.enqueue_indirect_dma source(%dma_start3A_471 : memref<300000x128xf32, #tpu.memory_space<hbm>>) target(%dma_start3A_467 : memref<128x128xf32, #tpu.memory_space<vmem>>) offsets(%dma_start3A_468 : memref<128xi32, #tpu.memory_space<vmem>>) semaphore(%arg10 : memref<!tpu.dma_semaphore, #tpu.memory_space<semaphore_mem>>)
    }
    %scan3A_49 = arith.constant 14 : i32
    %multiple_of3A_50 = arith.constant 0 : i32
    %multiple_of3A_51 = tpu.assume_multiple %multiple_of3A_50, 128 : i32
    %dma_wait3A = arith.constant 0 : i32
    %dma_wait3A_52 = arith.constant 0 : i32
    %dma_wait3A_53 = arith.constant 0 : i32
    %dma_wait3A_54 = tpu.memref_slice %arg6[%dma_wait3A, %dma_wait3A_52, %dma_wait3A_53] : memref<4x128x128xf32, #tpu.memory_space<vmem>> -> memref<1x128x128xf32, #tpu.memory_space<vmem>>
    %dma_wait3A_55 = tpu.memref_squeeze %dma_wait3A_54 : memref<1x128x128xf32, #tpu.memory_space<vmem>> -> memref<128x128xf32, #tpu.memory_space<vmem>>
    %dma_wait3A_56 = tpu.memref_slice %arg5[%multiple_of3A_51] : memref<7680xi32, #tpu.memory_space<vmem>> -> memref<128xi32, #tpu.memory_space<vmem>>
    %dma_wait3A_57 = arith.constant 0 : i32
    %dma_wait3A_58 = arith.constant 0 : i32
    %dma_wait3A_59 = tpu.memref_slice %arg3[%dma_wait3A_57, %dma_wait3A_58] : memref<300000x128xf32, #tpu.memory_space<hbm>> -> memref<300000x128xf32, #tpu.memory_space<hbm>>
    tpu.wait_indirect_dma semaphore(%arg7 : memref<!tpu.dma_semaphore, #tpu.memory_space<semaphore_mem>>) src(%dma_wait3A_59 : memref<300000x128xf32, #tpu.memory_space<hbm>>) dst(%dma_wait3A_55 : memref<128x128xf32, #tpu.memory_space<vmem>>)
    %add3A_60 = arith.constant 7168 : i32
    %add3A_61 = arith.addi %mul3A_2, %add3A_60 : i32
    %multiple_of3A_62 = tpu.assume_multiple %add3A_61, 128 : i32
    %dma_start3A_63 = arith.constant 0 : i32
    %dma_start3A_64 = arith.constant 0 : i32
    %dma_start3A_65 = arith.constant 0 : i32
    %dma_start3A_66 = tpu.memref_slice %arg6[%dma_start3A_63, %dma_start3A_64, %dma_start3A_65] : memref<4x128x128xf32, #tpu.memory_space<vmem>> -> memref<1x128x128xf32, #tpu.memory_space<vmem>>
    %dma_start3A_67 = tpu.memref_squeeze %dma_start3A_66 : memref<1x128x128xf32, #tpu.memory_space<vmem>> -> memref<128x128xf32, #tpu.memory_space<vmem>>
    %dma_start3A_68 = arith.constant 0 : i32
    %dma_start3A_69 = tpu.memref_slice %arg4[%multiple_of3A_62, %dma_start3A_68] : memref<245760x128xf32, #tpu.memory_space<hbm>> -> memref<128x128xf32, #tpu.memory_space<hbm>>
    %dma_start3A_70 = arith.constant 0 : i32
    %dma_start3A_71 = tpu.memref_slice %arg4[%multiple_of3A_62, %dma_start3A_70] : memref<245760x128xf32, #tpu.memory_space<hbm>> -> memref<128x128xf32, #tpu.memory_space<hbm>>
    %dma_start3A_72 = arith.constant 0 : i32
    %dma_start3A_73 = arith.constant 0 : i32
    %dma_start3A_74 = tpu.memref_slice %arg6[%dma_start3A_63, %dma_start3A_72, %dma_start3A_73] : memref<4x128x128xf32, #tpu.memory_space<vmem>> -> memref<1x128x128xf32, #tpu.memory_space<vmem>>
    %dma_start3A_75 = tpu.memref_squeeze %dma_start3A_74 : memref<1x128x128xf32, #tpu.memory_space<vmem>> -> memref<128x128xf32, #tpu.memory_space<vmem>>
    tpu.enqueue_dma source(%dma_start3A_75 : memref<128x128xf32, #tpu.memory_space<vmem>>) target(%dma_start3A_71 : memref<128x128xf32, #tpu.memory_space<hbm>>) target_semaphore(%arg11 : memref<!tpu.dma_semaphore, #tpu.memory_space<semaphore_mem>>)
    %multiple_of3A_76 = arith.constant 0 : i32
    %multiple_of3A_77 = tpu.assume_multiple %multiple_of3A_76, 128 : i32
    %dma_wait3A_78 = arith.constant 1 : i32
    %dma_wait3A_79 = arith.constant 0 : i32
    %dma_wait3A_80 = arith.constant 0 : i32
    %dma_wait3A_81 = tpu.memref_slice %arg6[%dma_wait3A_78, %dma_wait3A_79, %dma_wait3A_80] : memref<4x128x128xf32, #tpu.memory_space<vmem>> -> memref<1x128x128xf32, #tpu.memory_space<vmem>>
    %dma_wait3A_82 = tpu.memref_squeeze %dma_wait3A_81 : memref<1x128x128xf32, #tpu.memory_space<vmem>> -> memref<128x128xf32, #tpu.memory_space<vmem>>
    %dma_wait3A_83 = tpu.memref_slice %arg5[%multiple_of3A_77] : memref<7680xi32, #tpu.memory_space<vmem>> -> memref<128xi32, #tpu.memory_space<vmem>>
    %dma_wait3A_84 = arith.constant 0 : i32
    %dma_wait3A_85 = arith.constant 0 : i32
    %dma_wait3A_86 = tpu.memref_slice %arg3[%dma_wait3A_84, %dma_wait3A_85] : memref<300000x128xf32, #tpu.memory_space<hbm>> -> memref<300000x128xf32, #tpu.memory_space<hbm>>
    tpu.wait_indirect_dma semaphore(%arg8 : memref<!tpu.dma_semaphore, #tpu.memory_space<semaphore_mem>>) src(%dma_wait3A_86 : memref<300000x128xf32, #tpu.memory_space<hbm>>) dst(%dma_wait3A_82 : memref<128x128xf32, #tpu.memory_space<vmem>>)
    %add3A_87 = arith.constant 7296 : i32
    %add3A_88 = arith.addi %mul3A_2, %add3A_87 : i32
    %multiple_of3A_89 = tpu.assume_multiple %add3A_88, 128 : i32
    %dma_start3A_90 = arith.constant 1 : i32
    %dma_start3A_91 = arith.constant 0 : i32
    %dma_start3A_92 = arith.constant 0 : i32
    %dma_start3A_93 = tpu.memref_slice %arg6[%dma_start3A_90, %dma_start3A_91, %dma_start3A_92] : memref<4x128x128xf32, #tpu.memory_space<vmem>> -> memref<1x128x128xf32, #tpu.memory_space<vmem>>
    %dma_start3A_94 = tpu.memref_squeeze %dma_start3A_93 : memref<1x128x128xf32, #tpu.memory_space<vmem>> -> memref<128x128xf32, #tpu.memory_space<vmem>>
    %dma_start3A_95 = arith.constant 0 : i32
    %dma_start3A_96 = tpu.memref_slice %arg4[%multiple_of3A_89, %dma_start3A_95] : memref<245760x128xf32, #tpu.memory_space<hbm>> -> memref<128x128xf32, #tpu.memory_space<hbm>>
    %dma_start3A_97 = arith.constant 0 : i32
    %dma_start3A_98 = tpu.memref_slice %arg4[%multiple_of3A_89, %dma_start3A_97] : memref<245760x128xf32, #tpu.memory_space<hbm>> -> memref<128x128xf32, #tpu.memory_space<hbm>>
    %dma_start3A_99 = arith.constant 0 : i32
    %dma_start3A_100 = arith.constant 0 : i32
    %dma_start3A_101 = tpu.memref_slice %arg6[%dma_start3A_90, %dma_start3A_99, %dma_start3A_100] : memref<4x128x128xf32, #tpu.memory_space<vmem>> -> memref<1x128x128xf32, #tpu.memory_space<vmem>>
    %dma_start3A_102 = tpu.memref_squeeze %dma_start3A_101 : memref<1x128x128xf32, #tpu.memory_space<vmem>> -> memref<128x128xf32, #tpu.memory_space<vmem>>
    tpu.enqueue_dma source(%dma_start3A_102 : memref<128x128xf32, #tpu.memory_space<vmem>>) target(%dma_start3A_98 : memref<128x128xf32, #tpu.memory_space<hbm>>) target_semaphore(%arg12 : memref<!tpu.dma_semaphore, #tpu.memory_space<semaphore_mem>>)
    %multiple_of3A_103 = arith.constant 0 : i32
    %multiple_of3A_104 = tpu.assume_multiple %multiple_of3A_103, 128 : i32
    %dma_wait3A_105 = arith.constant 2 : i32
    %dma_wait3A_106 = arith.constant 0 : i32
    %dma_wait3A_107 = arith.constant 0 : i32
    %dma_wait3A_108 = tpu.memref_slice %arg6[%dma_wait3A_105, %dma_wait3A_106, %dma_wait3A_107] : memref<4x128x128xf32, #tpu.memory_space<vmem>> -> memref<1x128x128xf32, #tpu.memory_space<vmem>>
    %dma_wait3A_109 = tpu.memref_squeeze %dma_wait3A_108 : memref<1x128x128xf32, #tpu.memory_space<vmem>> -> memref<128x128xf32, #tpu.memory_space<vmem>>
    %dma_wait3A_110 = tpu.memref_slice %arg5[%multiple_of3A_104] : memref<7680xi32, #tpu.memory_space<vmem>> -> memref<128xi32, #tpu.memory_space<vmem>>
    %dma_wait3A_111 = arith.constant 0 : i32
    %dma_wait3A_112 = arith.constant 0 : i32
    %dma_wait3A_113 = tpu.memref_slice %arg3[%dma_wait3A_111, %dma_wait3A_112] : memref<300000x128xf32, #tpu.memory_space<hbm>> -> memref<300000x128xf32, #tpu.memory_space<hbm>>
    tpu.wait_indirect_dma semaphore(%arg9 : memref<!tpu.dma_semaphore, #tpu.memory_space<semaphore_mem>>) src(%dma_wait3A_113 : memref<300000x128xf32, #tpu.memory_space<hbm>>) dst(%dma_wait3A_109 : memref<128x128xf32, #tpu.memory_space<vmem>>)
    %add3A_114 = arith.constant 7424 : i32
    %add3A_115 = arith.addi %mul3A_2, %add3A_114 : i32
    %multiple_of3A_116 = tpu.assume_multiple %add3A_115, 128 : i32
    %dma_start3A_117 = arith.constant 2 : i32
    %dma_start3A_118 = arith.constant 0 : i32
    %dma_start3A_119 = arith.constant 0 : i32
    %dma_start3A_120 = tpu.memref_slice %arg6[%dma_start3A_117, %dma_start3A_118, %dma_start3A_119] : memref<4x128x128xf32, #tpu.memory_space<vmem>> -> memref<1x128x128xf32, #tpu.memory_space<vmem>>
    %dma_start3A_121 = tpu.memref_squeeze %dma_start3A_120 : memref<1x128x128xf32, #tpu.memory_space<vmem>> -> memref<128x128xf32, #tpu.memory_space<vmem>>
    %dma_start3A_122 = arith.constant 0 : i32
    %dma_start3A_123 = tpu.memref_slice %arg4[%multiple_of3A_116, %dma_start3A_122] : memref<245760x128xf32, #tpu.memory_space<hbm>> -> memref<128x128xf32, #tpu.memory_space<hbm>>
    %dma_start3A_124 = arith.constant 0 : i32
    %dma_start3A_125 = tpu.memref_slice %arg4[%multiple_of3A_116, %dma_start3A_124] : memref<245760x128xf32, #tpu.memory_space<hbm>> -> memref<128x128xf32, #tpu.memory_space<hbm>>
    %dma_start3A_126 = arith.constant 0 : i32
    %dma_start3A_127 = arith.constant 0 : i32
    %dma_start3A_128 = tpu.memref_slice %arg6[%dma_start3A_117, %dma_start3A_126, %dma_start3A_127] : memref<4x128x128xf32, #tpu.memory_space<vmem>> -> memref<1x128x128xf32, #tpu.memory_space<vmem>>
    %dma_start3A_129 = tpu.memref_squeeze %dma_start3A_128 : memref<1x128x128xf32, #tpu.memory_space<vmem>> -> memref<128x128xf32, #tpu.memory_space<vmem>>
    tpu.enqueue_dma source(%dma_start3A_129 : memref<128x128xf32, #tpu.memory_space<vmem>>) target(%dma_start3A_125 : memref<128x128xf32, #tpu.memory_space<hbm>>) target_semaphore(%arg13 : memref<!tpu.dma_semaphore, #tpu.memory_space<semaphore_mem>>)
    %multiple_of3A_130 = arith.constant 0 : i32
    %multiple_of3A_131 = tpu.assume_multiple %multiple_of3A_130, 128 : i32
    %dma_wait3A_132 = arith.constant 3 : i32
    %dma_wait3A_133 = arith.constant 0 : i32
    %dma_wait3A_134 = arith.constant 0 : i32
    %dma_wait3A_135 = tpu.memref_slice %arg6[%dma_wait3A_132, %dma_wait3A_133, %dma_wait3A_134] : memref<4x128x128xf32, #tpu.memory_space<vmem>> -> memref<1x128x128xf32, #tpu.memory_space<vmem>>
    %dma_wait3A_136 = tpu.memref_squeeze %dma_wait3A_135 : memref<1x128x128xf32, #tpu.memory_space<vmem>> -> memref<128x128xf32, #tpu.memory_space<vmem>>
    %dma_wait3A_137 = tpu.memref_slice %arg5[%multiple_of3A_131] : memref<7680xi32, #tpu.memory_space<vmem>> -> memref<128xi32, #tpu.memory_space<vmem>>
    %dma_wait3A_138 = arith.constant 0 : i32
    %dma_wait3A_139 = arith.constant 0 : i32
    %dma_wait3A_140 = tpu.memref_slice %arg3[%dma_wait3A_138, %dma_wait3A_139] : memref<300000x128xf32, #tpu.memory_space<hbm>> -> memref<300000x128xf32, #tpu.memory_space<hbm>>
    tpu.wait_indirect_dma semaphore(%arg10 : memref<!tpu.dma_semaphore, #tpu.memory_space<semaphore_mem>>) src(%dma_wait3A_140 : memref<300000x128xf32, #tpu.memory_space<hbm>>) dst(%dma_wait3A_136 : memref<128x128xf32, #tpu.memory_space<vmem>>)
    %add3A_141 = arith.constant 7552 : i32
    %add3A_142 = arith.addi %mul3A_2, %add3A_141 : i32
    %multiple_of3A_143 = tpu.assume_multiple %add3A_142, 128 : i32
    %dma_start3A_144 = arith.constant 3 : i32
    %dma_start3A_145 = arith.constant 0 : i32
    %dma_start3A_146 = arith.constant 0 : i32
    %dma_start3A_147 = tpu.memref_slice %arg6[%dma_start3A_144, %dma_start3A_145, %dma_start3A_146] : memref<4x128x128xf32, #tpu.memory_space<vmem>> -> memref<1x128x128xf32, #tpu.memory_space<vmem>>
    %dma_start3A_148 = tpu.memref_squeeze %dma_start3A_147 : memref<1x128x128xf32, #tpu.memory_space<vmem>> -> memref<128x128xf32, #tpu.memory_space<vmem>>
    %dma_start3A_149 = arith.constant 0 : i32
    %dma_start3A_150 = tpu.memref_slice %arg4[%multiple_of3A_143, %dma_start3A_149] : memref<245760x128xf32, #tpu.memory_space<hbm>> -> memref<128x128xf32, #tpu.memory_space<hbm>>
    %dma_start3A_151 = arith.constant 0 : i32
    %dma_start3A_152 = tpu.memref_slice %arg4[%multiple_of3A_143, %dma_start3A_151] : memref<245760x128xf32, #tpu.memory_space<hbm>> -> memref<128x128xf32, #tpu.memory_space<hbm>>
    %dma_start3A_153 = arith.constant 0 : i32
    %dma_start3A_154 = arith.constant 0 : i32
    %dma_start3A_155 = tpu.memref_slice %arg6[%dma_start3A_144, %dma_start3A_153, %dma_start3A_154] : memref<4x128x128xf32, #tpu.memory_space<vmem>> -> memref<1x128x128xf32, #tpu.memory_space<vmem>>
    %dma_start3A_156 = tpu.memref_squeeze %dma_start3A_155 : memref<1x128x128xf32, #tpu.memory_space<vmem>> -> memref<128x128xf32, #tpu.memory_space<vmem>>
    tpu.enqueue_dma source(%dma_start3A_156 : memref<128x128xf32, #tpu.memory_space<vmem>>) target(%dma_start3A_152 : memref<128x128xf32, #tpu.memory_space<hbm>>) target_semaphore(%arg14 : memref<!tpu.dma_semaphore, #tpu.memory_space<semaphore_mem>>)
    %add3A_157 = arith.constant 0 : i32
    %add3A_158 = arith.addi %mul3A_2, %add3A_157 : i32
    %multiple_of3A_159 = tpu.assume_multiple %add3A_158, 128 : i32
    %dma_wait3A_160 = arith.constant 0 : i32
    %dma_wait3A_161 = arith.constant 0 : i32
    %dma_wait3A_162 = arith.constant 0 : i32
    %dma_wait3A_163 = tpu.memref_slice %arg6[%dma_wait3A_160, %dma_wait3A_161, %dma_wait3A_162] : memref<4x128x128xf32, #tpu.memory_space<vmem>> -> memref<1x128x128xf32, #tpu.memory_space<vmem>>
    %dma_wait3A_164 = tpu.memref_squeeze %dma_wait3A_163 : memref<1x128x128xf32, #tpu.memory_space<vmem>> -> memref<128x128xf32, #tpu.memory_space<vmem>>
    %dma_wait3A_165 = arith.constant 0 : i32
    %dma_wait3A_166 = tpu.memref_slice %arg4[%multiple_of3A_159, %dma_wait3A_165] : memref<245760x128xf32, #tpu.memory_space<hbm>> -> memref<128x128xf32, #tpu.memory_space<hbm>>
    %dma_wait3A_167 = arith.constant 0 : i32
    %dma_wait3A_168 = tpu.memref_slice %arg4[%multiple_of3A_159, %dma_wait3A_167] : memref<245760x128xf32, #tpu.memory_space<hbm>> -> memref<128x128xf32, #tpu.memory_space<hbm>>
    %dma_wait3A_169 = arith.constant 0 : i32
    %dma_wait3A_170 = arith.constant 0 : i32
    %dma_wait3A_171 = tpu.memref_slice %arg6[%dma_wait3A_160, %dma_wait3A_169, %dma_wait3A_170] : memref<4x128x128xf32, #tpu.memory_space<vmem>> -> memref<1x128x128xf32, #tpu.memory_space<vmem>>
    %dma_wait3A_172 = tpu.memref_squeeze %dma_wait3A_171 : memref<1x128x128xf32, #tpu.memory_space<vmem>> -> memref<128x128xf32, #tpu.memory_space<vmem>>
    tpu.wait_dma2 semaphore(%arg11 : memref<!tpu.dma_semaphore, #tpu.memory_space<semaphore_mem>>) src(%dma_wait3A_172 : memref<128x128xf32, #tpu.memory_space<vmem>>) dst(%dma_wait3A_168 : memref<128x128xf32, #tpu.memory_space<hbm>>)
    %add3A_173 = arith.constant 0 : i32
    %add3A_174 = arith.addi %mul3A_2, %add3A_173 : i32
    %multiple_of3A_175 = tpu.assume_multiple %add3A_174, 128 : i32
    %dma_wait3A_176 = arith.constant 0 : i32
    %dma_wait3A_177 = arith.constant 0 : i32
    %dma_wait3A_178 = arith.constant 0 : i32
    %dma_wait3A_179 = tpu.memref_slice %arg6[%dma_wait3A_176, %dma_wait3A_177, %dma_wait3A_178] : memref<4x128x128xf32, #tpu.memory_space<vmem>> -> memref<1x128x128xf32, #tpu.memory_space<vmem>>
    %dma_wait3A_180 = tpu.memref_squeeze %dma_wait3A_179 : memref<1x128x128xf32, #tpu.memory_space<vmem>> -> memref<128x128xf32, #tpu.memory_space<vmem>>
    %dma_wait3A_181 = arith.constant 0 : i32
    %dma_wait3A_182 = tpu.memref_slice %arg4[%multiple_of3A_175, %dma_wait3A_181] : memref<245760x128xf32, #tpu.memory_space<hbm>> -> memref<128x128xf32, #tpu.memory_space<hbm>>
    %dma_wait3A_183 = arith.constant 0 : i32
    %dma_wait3A_184 = tpu.memref_slice %arg4[%multiple_of3A_175, %dma_wait3A_183] : memref<245760x128xf32, #tpu.memory_space<hbm>> -> memref<128x128xf32, #tpu.memory_space<hbm>>
    %dma_wait3A_185 = arith.constant 0 : i32
    %dma_wait3A_186 = arith.constant 0 : i32
    %dma_wait3A_187 = tpu.memref_slice %arg6[%dma_wait3A_176, %dma_wait3A_185, %dma_wait3A_186] : memref<4x128x128xf32, #tpu.memory_space<vmem>> -> memref<1x128x128xf32, #tpu.memory_space<vmem>>
    %dma_wait3A_188 = tpu.memref_squeeze %dma_wait3A_187 : memref<1x128x128xf32, #tpu.memory_space<vmem>> -> memref<128x128xf32, #tpu.memory_space<vmem>>
    tpu.wait_dma2 semaphore(%arg12 : memref<!tpu.dma_semaphore, #tpu.memory_space<semaphore_mem>>) src(%dma_wait3A_188 : memref<128x128xf32, #tpu.memory_space<vmem>>) dst(%dma_wait3A_184 : memref<128x128xf32, #tpu.memory_space<hbm>>)
    %add3A_189 = arith.constant 0 : i32
    %add3A_190 = arith.addi %mul3A_2, %add3A_189 : i32
    %multiple_of3A_191 = tpu.assume_multiple %add3A_190, 128 : i32
    %dma_wait3A_192 = arith.constant 0 : i32
    %dma_wait3A_193 = arith.constant 0 : i32
    %dma_wait3A_194 = arith.constant 0 : i32
    %dma_wait3A_195 = tpu.memref_slice %arg6[%dma_wait3A_192, %dma_wait3A_193, %dma_wait3A_194] : memref<4x128x128xf32, #tpu.memory_space<vmem>> -> memref<1x128x128xf32, #tpu.memory_space<vmem>>
    %dma_wait3A_196 = tpu.memref_squeeze %dma_wait3A_195 : memref<1x128x128xf32, #tpu.memory_space<vmem>> -> memref<128x128xf32, #tpu.memory_space<vmem>>
    %dma_wait3A_197 = arith.constant 0 : i32
    %dma_wait3A_198 = tpu.memref_slice %arg4[%multiple_of3A_191, %dma_wait3A_197] : memref<245760x128xf32, #tpu.memory_space<hbm>> -> memref<128x128xf32, #tpu.memory_space<hbm>>
    %dma_wait3A_199 = arith.constant 0 : i32
    %dma_wait3A_200 = tpu.memref_slice %arg4[%multiple_of3A_191, %dma_wait3A_199] : memref<245760x128xf32, #tpu.memory_space<hbm>> -> memref<128x128xf32, #tpu.memory_space<hbm>>
    %dma_wait3A_201 = arith.constant 0 : i32
    %dma_wait3A_202 = arith.constant 0 : i32
    %dma_wait3A_203 = tpu.memref_slice %arg6[%dma_wait3A_192, %dma_wait3A_201, %dma_wait3A_202] : memref<4x128x128xf32, #tpu.memory_space<vmem>> -> memref<1x128x128xf32, #tpu.memory_space<vmem>>
    %dma_wait3A_204 = tpu.memref_squeeze %dma_wait3A_203 : memref<1x128x128xf32, #tpu.memory_space<vmem>> -> memref<128x128xf32, #tpu.memory_space<vmem>>
    tpu.wait_dma2 semaphore(%arg13 : memref<!tpu.dma_semaphore, #tpu.memory_space<semaphore_mem>>) src(%dma_wait3A_204 : memref<128x128xf32, #tpu.memory_space<vmem>>) dst(%dma_wait3A_200 : memref<128x128xf32, #tpu.memory_space<hbm>>)
    %add3A_205 = arith.constant 0 : i32
    %add3A_206 = arith.addi %mul3A_2, %add3A_205 : i32
    %multiple_of3A_207 = tpu.assume_multiple %add3A_206, 128 : i32
    %dma_wait3A_208 = arith.constant 0 : i32
    %dma_wait3A_209 = arith.constant 0 : i32
    %dma_wait3A_210 = arith.constant 0 : i32
    %dma_wait3A_211 = tpu.memref_slice %arg6[%dma_wait3A_208, %dma_wait3A_209, %dma_wait3A_210] : memref<4x128x128xf32, #tpu.memory_space<vmem>> -> memref<1x128x128xf32, #tpu.memory_space<vmem>>
    %dma_wait3A_212 = tpu.memref_squeeze %dma_wait3A_211 : memref<1x128x128xf32, #tpu.memory_space<vmem>> -> memref<128x128xf32, #tpu.memory_space<vmem>>
    %dma_wait3A_213 = arith.constant 0 : i32
    %dma_wait3A_214 = tpu.memref_slice %arg4[%multiple_of3A_207, %dma_wait3A_213] : memref<245760x128xf32, #tpu.memory_space<hbm>> -> memref<128x128xf32, #tpu.memory_space<hbm>>
    %dma_wait3A_215 = arith.constant 0 : i32
    %dma_wait3A_216 = tpu.memref_slice %arg4[%multiple_of3A_207, %dma_wait3A_215] : memref<245760x128xf32, #tpu.memory_space<hbm>> -> memref<128x128xf32, #tpu.memory_space<hbm>>
    %dma_wait3A_217 = arith.constant 0 : i32
    %dma_wait3A_218 = arith.constant 0 : i32
    %dma_wait3A_219 = tpu.memref_slice %arg6[%dma_wait3A_208, %dma_wait3A_217, %dma_wait3A_218] : memref<4x128x128xf32, #tpu.memory_space<vmem>> -> memref<1x128x128xf32, #tpu.memory_space<vmem>>
    %dma_wait3A_220 = tpu.memref_squeeze %dma_wait3A_219 : memref<1x128x128xf32, #tpu.memory_space<vmem>> -> memref<128x128xf32, #tpu.memory_space<vmem>>
    tpu.wait_dma2 semaphore(%arg14 : memref<!tpu.dma_semaphore, #tpu.memory_space<semaphore_mem>>) src(%dma_wait3A_220 : memref<128x128xf32, #tpu.memory_space<vmem>>) dst(%dma_wait3A_216 : memref<128x128xf32, #tpu.memory_space<hbm>>)
    return
  }
}

module attributes {stable_mosaic.version = 14 : i64} {
  func.func @_pre_body(%arg0: i32, %arg1: memref<2000x300xf32, #tpu.memory_space<vmem>>, %arg2: memref<6000x128xf32, #tpu.memory_space<vmem>>) attributes {dimension_semantics = [#tpu.dimension_semantics<arbitrary>], iteration_bounds = array<i64: 50>, scalar_prefetch = 0 : i64, scratch_operands = 0 : i64, tpu.core_type = #tpu.core_type<tc>, window_params = [{transform_indices = @transform_0, window_bounds = array<i64: 2000, 300>}, {transform_indices = @transform_1, window_bounds = array<i64: 6000, 128>}]} {
    %get3A = arith.constant 0 : index
    %get3A_0 = arith.constant 0 : index
    %get3A_1 = vector.load %arg1[%get3A, %get3A_0] : memref<2000x300xf32, #tpu.memory_space<vmem>>, vector<2000x128xf32>
    %swap3A = arith.constant 0 : index
    %swap3A_2 = arith.constant 0 : index
    %swap3A_3 = vector.load %arg2[%swap3A, %swap3A_2] : memref<6000x128xf32, #tpu.memory_space<vmem>>, vector<2000x128xf32>
    tpu.vector_store %arg2[%swap3A, %swap3A_2], %get3A_1 {strides = array<i32>} : memref<6000x128xf32, #tpu.memory_space<vmem>>, vector<2000x128xf32>,
    %get3A_4 = arith.constant 0 : index
    %get3A_5 = arith.constant 128 : index
    %get3A_6 = vector.load %arg1[%get3A_4, %get3A_5] : memref<2000x300xf32, #tpu.memory_space<vmem>>, vector<2000x128xf32>
    %swap3A_7 = arith.constant 2000 : index
    %swap3A_8 = arith.constant 0 : index
    %swap3A_9 = vector.load %arg2[%swap3A_7, %swap3A_8] : memref<6000x128xf32, #tpu.memory_space<vmem>>, vector<2000x128xf32>
    tpu.vector_store %arg2[%swap3A_7, %swap3A_8], %get3A_6 {strides = array<i32>} : memref<6000x128xf32, #tpu.memory_space<vmem>>, vector<2000x128xf32>,
    %get3A_10 = arith.constant 0 : index
    %get3A_11 = arith.constant 256 : index
    %get3A_12 = vector.load %arg1[%get3A_10, %get3A_11] : memref<2000x300xf32, #tpu.memory_space<vmem>>, vector<2000x44xf32>
    %swap3A_13 = arith.constant 4000 : index
    %swap3A_14 = arith.constant 0 : index
    %swap3A_15 = vector.load %arg2[%swap3A_13, %swap3A_14] : memref<6000x128xf32, #tpu.memory_space<vmem>>, vector<2000x44xf32>
    tpu.vector_store %arg2[%swap3A_13, %swap3A_14], %get3A_12 {strides = array<i32>} : memref<6000x128xf32, #tpu.memory_space<vmem>>, vector<2000x44xf32>,
    return
  }
  func.func @transform_0(%arg0: i32) -> (i32, i32) {
    %c0_i32 = arith.constant 0 : i32
    %c0_i32_0 = arith.constant 0 : i32
    return %arg0, %c0_i32 : i32, i32
  }
  func.func @transform_1(%arg0: i32) -> (i32, i32) {
    %c0_i32 = arith.constant 0 : i32
    %c0_i32_0 = arith.constant 0 : i32
    return %arg0, %c0_i32 : i32, i32
  }
}

module attributes {stable_mosaic.version = 14 : i64} {
  func.func @_post_body(%arg0: i32, %arg1: memref<2560x128xf32, #tpu.memory_space<vmem>>, %arg2: memref<2560x128xf32, #tpu.memory_space<vmem>>, %arg3: memref<2560x128xf32, #tpu.memory_space<vmem>>, %arg4: memref<128x20x300xf32, #tpu.memory_space<vmem>>) attributes {dimension_semantics = [#tpu.dimension_semantics<arbitrary>], iteration_bounds = array<i64: 32>, scalar_prefetch = 0 : i64, scratch_operands = 0 : i64, tpu.core_type = #tpu.core_type<tc>, window_params = [{transform_indices = @transform_0, window_bounds = array<i64: 2560, 128>}, {transform_indices = @transform_1, window_bounds = array<i64: 2560, 128>}, {transform_indices = @transform_2, window_bounds = array<i64: 2560, 128>}, {transform_indices = @transform_3, window_bounds = array<i64: 128, 20, 300>}]} {
    %get3A = arith.constant 0 : index
    %get3A_0 = arith.constant 0 : index
    %get3A_1 = vector.load %arg1[%get3A, %get3A_0] : memref<2560x128xf32, #tpu.memory_space<vmem>>, vector<2560x128xf32>
    %reshape3A = vector.shape_cast %get3A_1 : vector<2560x128xf32> to vector<128x20x128xf32>
    %swap3A = arith.constant 0 : index
    %swap3A_2 = arith.constant 0 : index
    %swap3A_3 = arith.constant 0 : index
    %swap3A_4 = vector.load %arg4[%swap3A, %swap3A_2, %swap3A_3] : memref<128x20x300xf32, #tpu.memory_space<vmem>>, vector<128x20x128xf32>
    tpu.vector_store %arg4[%swap3A, %swap3A_2, %swap3A_3], %reshape3A {strides = array<i32>} : memref<128x20x300xf32, #tpu.memory_space<vmem>>, vector<128x20x128xf32>,
    %get3A_5 = arith.constant 0 : index
    %get3A_6 = arith.constant 0 : index
    %get3A_7 = vector.load %arg2[%get3A_5, %get3A_6] : memref<2560x128xf32, #tpu.memory_space<vmem>>, vector<2560x128xf32>
    %reshape3A_8 = vector.shape_cast %get3A_7 : vector<2560x128xf32> to vector<128x20x128xf32>
    %swap3A_9 = arith.constant 0 : index
    %swap3A_10 = arith.constant 0 : index
    %swap3A_11 = arith.constant 128 : index
    %swap3A_12 = vector.load %arg4[%swap3A_9, %swap3A_10, %swap3A_11] : memref<128x20x300xf32, #tpu.memory_space<vmem>>, vector<128x20x128xf32>
    tpu.vector_store %arg4[%swap3A_9, %swap3A_10, %swap3A_11], %reshape3A_8 {strides = array<i32>} : memref<128x20x300xf32, #tpu.memory_space<vmem>>, vector<128x20x128xf32>,
    %get3A_13 = arith.constant 0 : index
    %get3A_14 = arith.constant 0 : index
    %get3A_15 = vector.load %arg3[%get3A_13, %get3A_14] : memref<2560x128xf32, #tpu.memory_space<vmem>>, vector<2560x128xf32>
    %reshape3A_16 = vector.shape_cast %get3A_15 : vector<2560x128xf32> to vector<128x20x128xf32>
    %slice3A = vector.extract_strided_slice %reshape3A_16 {offsets = [0, 0, 0], sizes = [128, 20, 44], strides = [1, 1, 1]} : vector<128x20x128xf32> to vector<128x20x44xf32>
    %swap3A_17 = arith.constant 0 : index
    %swap3A_18 = arith.constant 0 : index
    %swap3A_19 = arith.constant 256 : index
    %swap3A_20 = vector.load %arg4[%swap3A_17, %swap3A_18, %swap3A_19] : memref<128x20x300xf32, #tpu.memory_space<vmem>>, vector<128x20x44xf32>
    tpu.vector_store %arg4[%swap3A_17, %swap3A_18, %swap3A_19], %slice3A {strides = array<i32>} : memref<128x20x300xf32, #tpu.memory_space<vmem>>, vector<128x20x44xf32>,
    return
  }
  func.func @transform_0(%arg0: i32) -> (i32, i32) {
    %add3A = arith.constant 0 : i32
    %add3A_0 = arith.addi %add3A, %arg0 : i32
    %c0_i32 = arith.constant 0 : i32
    %c0_i32_1 = arith.constant 0 : i32
    return %add3A_0, %c0_i32 : i32, i32
  }
  func.func @transform_1(%arg0: i32) -> (i32, i32) {
    %add3A = arith.constant 32 : i32
    %add3A_0 = arith.addi %add3A, %arg0 : i32
    %c0_i32 = arith.constant 0 : i32
    %c0_i32_1 = arith.constant 0 : i32
    return %add3A_0, %c0_i32 : i32, i32
  }
  func.func @transform_2(%arg0: i32) -> (i32, i32) {
    %add3A = arith.constant 64 : i32
    %add3A_0 = arith.addi %add3A, %arg0 : i32
    %c0_i32 = arith.constant 0 : i32
    %c0_i32_1 = arith.constant 0 : i32
    return %add3A_0, %c0_i32 : i32, i32
  }
  func.func @transform_3(%arg0: i32) -> (i32, i32, i32) {
    %c0_i32 = arith.constant 0 : i32
    %c0_i32_0 = arith.constant 0 : i32
    %c0_i32_1 = arith.constant 0 : i32
    return %arg0, %c0_i32, %c0_i32_0 : i32, i32, i32
  }
}

</mosaic_0001>

<sc_bundles>
// kernel: kernel.5.cloned.1.call-start
scs
__scs_entry_jumppad:
0x0: {  	(pc) =	sbr.rel $0x88, $3  }
0x1: {  	(tag) =	ssettag $0x0;
	lr =	simm.s32 $0x1  }
0x2: {  	[smem:$0x3F9F] =	sst lr;
	_ =	strace $0xD0000000  }
0x3: {  	_ = 	snop  }
0x4: {  	_ = 	snop  }
0x5: {  	_ = 	snop  }
0x6: {  	_ = 	snop  }
0x7: {  	_ = 	snop  }
__scs_overlays_trampoline_lowered:
0x8: {  	[smem:$0x3FAE] =	sst s0  }
0x9: {  	[smem:$0x3FAF] =	sst s1  }
0xa: {  	[smem:$0x3FB0] =	sst s2  }
0xb: {  	[smem:$0x3FB1] =	sst s3  }
0xc: {  	[smem:$0x3FB2] =	sst s4  }
0xd: {  	[smem:$0x3FB3] =	sst s5  }
0xe: {  	[smem:$0x3FB4] =	sst s6  }
0xf: {  	[smem:$0x3FB5] =	sst s7  }
0x10: {  	[smem:$0x3FB6] =	sst s8  }
0x11: {  	[smem:$0x3FB7] =	sst s9;
	s0 =	simm.s32 @!p0 $0x0  }
0x12: {  	s1 =	sld [smem:$0x3F9D];
	s0 =	simm.s32 @p0 $0x1  }
0x13: {  	[smem:$0x3FB8] =	sst s0;
	s0 =	simm.s32 @!p1 $0x0  }
0x14: {  	s2 =	sld [smem:$0x3F9C];
	s0 =	simm.s32 @p1 $0x1  }
0x15: {  	[smem:$0x3FB9] =	sst s0;
	s0 =	simm.s32 @!p2 $0x0  }
0x16: {  	s3 =	sld [smem:$0x3FDB];
	s0 =	simm.s32 @p2 $0x1  }
0x17: {  	s4 =	simm.s32 $0x1BF5;
	[smem:$0x3FBB] =	sst s0  }
0x18: {  	s0 =	sld [smem:$0x3F9E];
	_ =	swait.ge [sflag:s4], $0x0  }
0x19: {  	s7 =	sld [smem:$0x3F9F]  }
0x1a: {  	s8 =	sadd.s32 $0xFFFFE003, lr  }
0x1b: {  	s9 =	sadd.s32 $0xFFFFFEF7, lr;
	s5 =	simm.s32 $0xFFFFFFFF;
	p2 =	slt.u32 s8, $0xFFFFF086  }
0x1c: {  	p1 =	slt.u32 s9, $0xF7A;
	s5 =	simm.s32 @!p2 $0x0  }
0x1d: {  	s5 =	simm.s32 @p1 $0x1;
	p0 =	seq.s32 s7, s2  }
0x1e: {  	s7 =	smul.u32 @!p0 $0xF7A, s2;
	p2 =	seq.s32 @!p0 s5, $0x0  }
0x1f: {  	s9 =	smul.u32 $0xF7A, s1;
	s8 =	simm.s32 @!p0 $0x1BF5;
	p2 =	por !p2, p0  }
0x20: {  	[sflag:s8] =	ssyncset.s32 @!p0 $0xFFFFF086;
	s6 =	sadd.s32 @!p0 s3, s7;
	s7 =	simm.s32 @!p0 $0x108  }
0x21: {  	s3 =	sadd.s32 s3, s9;
	s6 =	sadd.s32 @!p0 $0x88, s6;
	s7 =	simm.s32 @p2 $0x1082  }
0x22: {  	[simem:s7], [sflag:s8] =	dma.local @!p0 [hbm:s6], $0xF7A  }
0x23: {  	s9 =	sor.u32 $0xD0000000, s2;
	s6 =	simm.s32 $0x108;
	_ =	swait.ge @!p0 [sflag:s8], $0x0  }
0x24: {  	s3 =	sadd.s32 $0x88, s3;
	s6 =	simm.s32 @!p1 $0x1082;
	[sflag:s4] =	ssyncset.s32 $0xFFFFF086  }
0x25: {  	[simem:s6], [sflag:s4] =	dma.local [hbm:s3], $0xF7A  }
0x26: {  	[smem:$0x3F9F] =	sst s1;
	(tag) =	ssettag s2;
	_ =	strace s9  }
0x27: {  	s1 =	sld [smem:$0x3FAF]  }
0x28: {  	s2 =	sld [smem:$0x3FB0]  }
0x29: {  	s4 =	sld [smem:$0x3FB2]  }
0x2a: {  	p0 =	seq.s32 s5, $0x0;
	s5 =	sld [smem:$0x3FB3]  }
0x2b: {  	s6 =	sld [smem:$0x3FB4]  }
0x2c: {  	s7 =	sld [smem:$0x3FB5]  }
0x2d: {  	s3 =	simm.s32 $0x108;
	s8 =	sld [smem:$0x3FB6]  }
0x2e: {  	s3 =	simm.s32 @!p0 $0x1082;
	s9 =	sld [smem:$0x3FB7]  }
0x2f: {  	lr =	sadd.s32 s0, s3;
	s0 =	sld [smem:$0x3FAE]  }
0x30: {  	s3 =	sld [smem:$0x3FB1]  }
0x31: {  	[smem:$0x3FBA] =	sst s10  }
0x32: {  	s10 =	sld [smem:$0x3FB8];
	_ =	sdelay $0x3  }
0x33: {  	p0 =	seq.s32 s10, $0x1;
	s10 =	sld [smem:$0x3FBA];
	_ =	sdelay $0x3  }
0x34: {  	[smem:$0x3FBA] =	sst s10  }
0x35: {  	s10 =	sld [smem:$0x3FB9];
	_ =	sdelay $0x3  }
0x36: {  	p1 =	seq.s32 s10, $0x1;
	s10 =	sld [smem:$0x3FBA];
	_ =	sdelay $0x3  }
0x37: {  	[smem:$0x3FBA] =	sst s10  }
0x38: {  	s10 =	sld [smem:$0x3FBB]  }
0x39: {  	_ = 	snop;
	(pc) =	sbr.ind lr, $3  }
0x3a: {  	_ = 	snop  }
0x3b: {  	_ = 	snop  }
0x3c: {  	p2 =	seq.s32 s10, $0x1;
	s10 =	sld [smem:$0x3FBA]  }
0x3d: {  	_ =	shalt  }
0x3e: {  	_ =	shalt  }
0x3f: {  	_ =	shalt  }
0x40: {  	_ =	shalt  }
0x41: {  	_ =	shalt  }
0x42: {  	_ =	shalt  }
0x43: {  	_ =	shalt  }
0x44: {  	_ =	shalt  }
0x45: {  	_ =	shalt  }
0x46: {  	_ =	shalt  }
0x47: {  	_ =	shalt  }
0x48: {  	_ =	shalt  }
0x49: {  	_ =	shalt  }
0x4a: {  	_ =	shalt  }
0x4b: {  	_ =	shalt  }
0x4c: {  	_ =	shalt  }
0x4d: {  	_ =	shalt  }
0x4e: {  	_ =	shalt  }
0x4f: {  	_ =	shalt  }
0x50: {  	_ =	shalt  }
0x51: {  	_ =	shalt  }
0x52: {  	_ =	shalt  }
0x53: {  	_ =	shalt  }
0x54: {  	_ =	shalt  }
0x55: {  	_ =	shalt  }
0x56: {  	_ =	shalt  }
0x57: {  	_ =	shalt  }
0x58: {  	_ =	shalt  }
0x59: {  	_ =	shalt  }
0x5a: {  	_ =	shalt  }
0x5b: {  	_ =	shalt  }
0x5c: {  	_ =	shalt  }
0x5d: {  	_ =	shalt  }
0x5e: {  	_ =	shalt  }
0x5f: {  	_ =	shalt  }
0x60: {  	_ =	shalt  }
0x61: {  	_ =	shalt  }
0x62: {  	_ =	shalt  }
0x63: {  	_ =	shalt  }
0x64: {  	_ =	shalt  }
0x65: {  	_ =	shalt  }
0x66: {  	_ =	shalt  }
0x67: {  	_ =	shalt  }
0x68: {  	_ =	shalt  }
0x69: {  	_ =	shalt  }
0x6a: {  	_ =	shalt  }
0x6b: {  	_ =	shalt  }
0x6c: {  	_ =	shalt  }
0x6d: {  	_ =	shalt  }
0x6e: {  	_ =	shalt  }
0x6f: {  	_ =	shalt  }
0x70: {  	_ =	shalt  }
0x71: {  	_ =	shalt  }
0x72: {  	_ =	shalt  }
0x73: {  	_ =	shalt  }
0x74: {  	_ =	shalt  }
0x75: {  	_ =	shalt  }
0x76: {  	_ =	shalt  }
0x77: {  	_ =	shalt  }
0x78: {  	_ =	shalt  }
0x79: {  	_ =	shalt  }
0x7a: {  	_ =	shalt  }
0x7b: {  	_ =	shalt  }
0x7c: {  	_ =	shalt  }
0x7d: {  	_ =	shalt  }
0x7e: {  	_ =	shalt  }
0x7f: {  	_ =	shalt  }
0x80: {  	_ =	shalt  }
0x81: {  	_ =	shalt  }
0x82: {  	_ =	shalt  }
0x83: {  	_ =	shalt  }
0x84: {  	_ =	shalt  }
0x85: {  	_ =	shalt  }
0x86: {  	_ =	shalt  }
0x87: {  	_ =	shalt  }
.Lfunc_end0:
.L_simem_size_0:
called_computation_lowered:
.L_overlay_start_0:
0x88: {  	s2 =	sld [smem:$0x3FD9]  }
0x89: {  	s3 =	sld [smem:$0x3FFE];
	_ =	sdelay $0x1  }
0x8a: {  	s1 =	srdreg.scid  }
0x8b: {  	s0 =	sand.u32 $0x1, s1  }
0x8c: {  	s17 =	sshll.u32 s0, $0xA;
	s2 =	sadd.s32 s3, s2  }
0x8d: {  	s2 =	sadd.s32 s2, s17  }
0x8e: {  	[smem:$0x3FC6] =	sst s2  }
0x8f: {  	_ = 	snop  }
0x90: {  	s2 =	sld [smem:$0x3FD0];
	(tm) =	ssettm $0x1  }
0x91: {  	s18 =	sld [smem:$0x3FFB];
	_ =	sdelay $0x3  }
0x92: {  	_ =	strace s18  }
0x93: {  	s3 =	sld [smem:$0x3FFC];
	_ =	sdelay $0x3  }
0x94: {  	_ =	strace s3  }
0x95: {  	s3 =	sld [smem:$0x3FFD];
	_ =	sdelay $0x3  }
0x96: {  	_ =	strace s3  }
0x97: {  	_ =	strace $0x8FFFFFFF  }
0x98: {  	s19 =	sld [smem:$0x3FDB];
	_ =	sdelay $0x1  }
0x99: {  	s4 =	simm.s32 $_scs_section_size  }
0x9a: {  	s5 =	simm.s32 $_size__tile_overlayer_lowered;
	s6 =	simm.s32 $_tile_overlayer_lowered  }
0x9b: {  	s22 =	simm.s32 $0x1BFF;
	s21 =	sshll.u32 s6, $0x1;
	s3 =	sadd.s32 s4, s19  }
0x9c: {  	s7 =	simm.s32 $0x0;
	s20 =	sshll.u32 s5, $0x1;
	s5 =	sadd.s32 s21, s3  }
0x9d: {  	[timem:s7], [sflag:s22] =	dma.local [hbm:s5], s20  }
0x9e: {  	_ =	swait.ge [sflag:s22], s20  }
0x9f: {  	s4 =	ssub.s32 $0x0, s20;
	[sflag:s22] =	ssyncset.done $0x0  }
0xa0: {  	[sflag:s22] =	ssyncadd.s32 s4;
	_ =	sdelay $0x1  }
0xa1: {  	s23 =	simm.s32 $0x1B8B  }
0xa2: {  	_ =	swait.ge [sflag:s23], $0x1  }
0xa3: {  	[sflag:s23] =	ssyncset.done $0x0  }
0xa4: {  	s25 =	simm.s32 $0x1B8E;
	s24 =	sld [smem:$0x3FFE];
	[sflag:s23] =	ssyncadd.s32 $0xFFFFFFFF  }
0xa5: {  	s26 =	simm.s32 $execute0_lowered;
	[smem:$0x3FD2] =	sst s25  }
0xa6: {  	s5 =	sshll.u32 s26, $0x1;
	_ =	strace $0x80000046;
	[dreg:$0x1] =	wrdreg $0xFFFFFFFF  }
0xa7: {  	s28 =	simm.s32 $_size_execute0_lowered;
	s3 =	sadd.s32 s3, s5;
	[dreg:$0x0] =	wrdreg $0x0  }
0xa8: {  	s5 =	sshll.u32 s28, $0x1;
	[dreg:$0x2] =	wrdreg s3  }
0xa9: {  	[dreg:$0x3] =	wrdreg s5  }
0xaa: {  	[dreg:$0x4] =	wrdreg $0xC0  }
0xab: {  	_ =	task [dreg:s7], $0x5FFFF  }
0xac: {  	[dreg:$0x1] =	wrdreg $0xFFFFFFFF  }
0xad: {  	[dreg:$0x0] =	wrdreg $0x60  }
0xae: {  	[dreg:$0x2] =	wrdreg s2  }
0xaf: {  	[dreg:$0x3] =	wrdreg s24  }
0xb0: {  	[dreg:$0x4] =	wrdreg $0x9  }
0xb1: {  	_ =	task.clear_ibuf [dreg:s7], $0x5FFFF;
	_ =	strace $0x90000046  }
0xb2: {  	s29 =	simm.s32 $0x9;
	_ =	strace $0x80000048  }
0xb3: {  	_ =	swait.ge [sflag:s29], $0x1  }
0xb4: {  	[sflag:s29] =	ssyncadd.s32 $0xFFFFFFFF  }
0xb5: {  	_ =	strace $0x90000048  }
0xb6: {  	_ =	sfence  }
0xb7: {  	s30 =	sld [smem:$0x0];
	_ =	sdelay $0x2  }
0xb8: {  	s31 =	sshll.u32 s1, $0xD;
	s1 =	sshrl.u32 s1, $0x2  }
0xb9: {  	s3 =	sand.u32 $0x4000, s31;
	s1 =	sadd.s32 s1, s30  }
0xba: {  	s0 =	sor.u32 s3, s0;
	s1 =	sshll.u32 s1, $0x11  }
0xbb: {  	s0 =	sor.u32 s1, s0  }
0xbc: {  	s0 =	sadd.s32 $0x8F2B, s0  }
0xbd: {  	[sflag:s0] =	ssyncadd.remote.s32 $0x1  }
0xbe: {  	_ =	sfence.sel $0xFFFF  }
0xbf: {  	[dreg:$0x0] =	wrdreg $0xFFFFFFFF;
	(pc) =	sbr.abs _section_cstart, $3  }
0xc0: {  	[dreg:$0x1] =	wrdreg $0xFFFFFFFF  }
0xc1: {  	_ =	task.clear_ibuf [dreg:s7], $0x2FFFF;
	_ =	strace $0x9FFFFFFF  }
0xc2: {  	(tm) =	ssettm $0x7FFFFFFF  }
0xc3: {  	_ =	shalt  }
tec
execute0_lowered:
.L_overlay_start_1:
0x0: {  	(tag) =	ssettag $0x1  }
0x1: {  	s0 =	rddreg [dreg:$0x0]  }
0x2: {  	s1 =	rddreg [dreg:$0x1]  }
0x3: {  	s3 =	srdreg.scid;
	s11 =	stileid.u32  }
0x4: {  	s2 =	simm.s32 $0x0;
	s14 =	simm.s32 $0x9;
	s15 =	simm.s32 $0x80  }
0x5: {  	s16 =	simm.s32 $0x1E00;
	s17 =	simm.s32 $0x5E00;
	s19 =	simm.s32 $0x9E00  }
0x6: {  	s21 =	simm.s32 $0xDE00;
	s28 =	simm.s32 $0x6;
	s29 =	simm.s32 $0x7  }
0x7: {  	s30 =	simm.s32 $0x8;
	s31 =	simm.s32 $0x0;
	s9 =	smul.u32 $0x1E0000, s11  }
0x8: {  	s6 =	sand.u32 $0x1, s3;
	s22 =	sshll.u32 s11, $0x1;
	s23 =	smul.u32 $0x3C00, s11  }
0x9: {  	[smem:$0x7FF] =	sst s2;
	s3 =	sadd.s32 $0x494400, s1;
	s12 =	smul.u32 $0x1E00, s6  }
0xa: {  	s1 =	sadd.s32 $0x600, s1;
	s4 =	sor.u32 s6, s22;
	s25 =	smul.u32 $0xF0000, s6  }
0xb: {  	_ =	strace $0x80000047;
	s7 =	ssub.s32 $0x2, s6;
	s5 =	smul.u32 $0x1E00, s4  }
0xc: {  	s22 =	simm.s32 $0x1;
	s4 =	smul.u32 $0xF0000, s4;
	s8 =	sshrl.u32 s7, $0x1  }
0xd: {  	s10 =	ssub.s32 s7, s8;
	s12 =	sadd.s32 s12, s23;
	s23 =	simm.s32 $0x2  }
0xe: {  	s4 =	sshrl.u32 s4, $0x3;
	s5 =	sshrl.u32 s5, $0x3;
	s26 =	sshll.u32 s12, $0x4  }
0xf: {  	s24 =	sadd.s32 s1, s4;
	s0 =	sadd.s32 s0, s5;
	s13 =	sadd.s32 s26, s1  }
0x10: {  	s26 =	simm.s32 $0x5;
	[dreg:$0x3] =	wrdreg s0;
	s5 =	sadd.s32 $0x1C000, s24  }
0x11: {  	s6 =	sadd.s32 $0x1C800, s24;
	s7 =	sadd.s32 $0x1D000, s24;
	s8 =	sadd.s32 $0x1D800, s24  }
0x12: {  	s0 =	sadd.s32 s25, s9;
	s9 =	smax.u32 s10, $0x1;
	s11 =	sadd.s32 $0x1800, s13  }
0x13: {  	s12 =	sadd.s32 $0x1000, s13;
	s13 =	sadd.s32 $0x800, s13;
	s0 =	sshrl.u32 s0, $0x3  }
0x14: {  	s24 =	simm.s32 $0x3;
	s25 =	simm.s32 $0x4;
	s10 =	sadd.s32 s0, s1  }
.LBB2_1:
0x15: {  	s0 =	rddreg [dreg:$0x3]  }
0x16: {  	[tilespmem:s2], [sflag:$0x9] =	stream.linear.gather [hbm4b:s0+s2], $0x1E00, $0x38;
	[tilespmem:$0x11E00] =	vst v63  }
0x17: {  	_ =	swait.ge [sflag:s14], $0x1E00  }
0x18: {  	[sflag:s14] =	ssyncset.done $0x0  }
0x19: {  	[sflag:s14] =	ssyncadd.s32 $0xFFFFE200  }
0x1a: {  	[tilespmem:s16], [sflag:$0x1] =	stream.indirect.gather [hbm4b:s3+s15], $0x80, s2, s15, $0xb8;
	[tilespmem:$0x11E00] =	vst v63  }
0x1b: {  	_ = 	snop  }
0x1c: {  	[tilespmem:s17], [sflag:$0x2] =	stream.indirect.gather [hbm4b:s3+s15], $0x80, s15, s15, $0xb8;
	[tilespmem:$0x11E00] =	vst v63  }
0x1d: {  	s20 =	simm.s32 $0x100  }
0x1e: {  	[tilespmem:s19], [sflag:$0x3] =	stream.indirect.gather [hbm4b:s3+s15], $0x80, s20, s15, $0xb8;
	[tilespmem:$0x11E00] =	vst v63  }
0x1f: {  	s1 =	simm.s32 $0x180  }
0x20: {  	[tilespmem:s21], [sflag:$0x4] =	stream.indirect.gather [hbm4b:s3+s15], $0x80, s1, s15, $0xb8;
	[tilespmem:$0x11E00] =	vst v63  }
0x21: {  	_ =	swait.ge [sflag:s22], $0x4000  }
0x22: {  	[sflag:s22] =	ssyncset.done $0x0  }
0x23: {  	s4 =	sadd.s32 $0x0, s10;
	[sflag:s22] =	ssyncadd.s32 $0xFFFFC000  }
0x24: {  	[hbm4b:s4+s2] =	stream.linear.scatter [tilespmem:s16], [sflag:$0x5], $0x4000, $0x38;
	[tilespmem:$0x11E00] =	vst v63  }
0x25: {  	_ =	swait.ge [sflag:s23], $0x4000  }
0x26: {  	[sflag:s23] =	ssyncset.done $0x0  }
0x27: {  	s18 =	sadd.s32 $0x0, s13;
	[sflag:s23] =	ssyncadd.s32 $0xFFFFC000  }
0x28: {  	[hbm4b:s18+s2] =	stream.linear.scatter [tilespmem:s17], [sflag:$0x6], $0x4000, $0x38;
	[tilespmem:$0x11E00] =	vst v63  }
0x29: {  	_ =	swait.ge [sflag:s24], $0x4000  }
0x2a: {  	[sflag:s24] =	ssyncset.done $0x0  }
0x2b: {  	s20 =	sadd.s32 $0x0, s12;
	[sflag:s24] =	ssyncadd.s32 $0xFFFFC000  }
0x2c: {  	[hbm4b:s20+s2] =	stream.linear.scatter [tilespmem:s19], [sflag:$0x7], $0x4000, $0x38;
	[tilespmem:$0x11E00] =	vst v63  }
0x2d: {  	_ =	swait.ge [sflag:s25], $0x4000  }
0x2e: {  	[sflag:s25] =	ssyncset.done $0x0  }
0x2f: {  	s1 =	sadd.s32 $0x0, s11;
	[sflag:s25] =	ssyncadd.s32 $0xFFFFC000  }
0x30: {  	[hbm4b:s1+s2] =	stream.linear.scatter [tilespmem:s21], [sflag:$0x8], $0x4000, $0x38;
	[tilespmem:$0x11E00] =	vst v63  }
0x31: {  	_ =	swait.ge [sflag:s26], $0x4000  }
0x32: {  	[sflag:s26] =	ssyncset.done $0x0  }
0x33: {  	s4 =	simm.s32 $0x200;
	[sflag:s26] =	ssyncadd.s32 $0xFFFFC000  }
0x34: {  	[tilespmem:s16], [sflag:$0x1] =	stream.indirect.gather [hbm4b:s3+s15], $0x80, s4, s15, $0xb8;
	[tilespmem:$0x11E00] =	vst v63  }
0x35: {  	_ =	swait.ge [sflag:s28], $0x4000  }
0x36: {  	[sflag:s28] =	ssyncset.done $0x0  }
0x37: {  	s18 =	simm.s32 $0x280;
	[sflag:s28] =	ssyncadd.s32 $0xFFFFC000  }
0x38: {  	[tilespmem:s17], [sflag:$0x2] =	stream.indirect.gather [hbm4b:s3+s15], $0x80, s18, s15, $0xb8;
	[tilespmem:$0x11E00] =	vst v63  }
0x39: {  	_ =	swait.ge [sflag:s29], $0x4000  }
0x3a: {  	[sflag:s29] =	ssyncset.done $0x0  }
0x3b: {  	s20 =	simm.s32 $0x300;
	[sflag:s29] =	ssyncadd.s32 $0xFFFFC000  }
0x3c: {  	[tilespmem:s19], [sflag:$0x3] =	stream.indirect.gather [hbm4b:s3+s15], $0x80, s20, s15, $0xb8;
	[tilespmem:$0x11E00] =	vst v63  }
0x3d: {  	_ =	swait.ge [sflag:s30], $0x4000  }
0x3e: {  	s0 =	simm.s32 $0x380;
	[sflag:s30] =	ssyncset.done $0x0  }
0x3f: {  	s1 =	simm.s32 $0x2000;
	s18 =	simm.s32 $0x580;
	[sflag:s30] =	ssyncadd.s32 $0xFFFFC000  }
.LBB2_2:
0x40: {  	[tilespmem:s21], [sflag:$0x4] =	stream.indirect.gather [hbm4b:s3+s15], $0x80, s0, s15, $0xb8;
	[tilespmem:$0x11E00] =	vst v63  }
0x41: {  	s20 =	smov.u32 s1;
	s0 =	smov.u32 s18  }
0x42: {  	p0 =	sne.s32 s1, $0x1A000;
	s1 =	sadd.s32 $0x2000, s1;
	_ =	swait.ge [sflag:s22], $0x4000  }
0x43: {  	[sflag:s22] =	ssyncset.done $0x0  }
0x44: {  	s4 =	sadd.s32 s20, s10;
	[sflag:s22] =	ssyncadd.s32 $0xFFFFC000  }
0x45: {  	[hbm4b:s4+s2] =	stream.linear.scatter [tilespmem:s16], [sflag:$0x5], $0x4000, $0x38;
	[tilespmem:$0x11E00] =	vst v63  }
0x46: {  	_ =	swait.ge [sflag:s23], $0x4000  }
0x47: {  	[sflag:s23] =	ssyncset.done $0x0  }
0x48: {  	s4 =	sadd.s32 s20, s13;
	[sflag:s23] =	ssyncadd.s32 $0xFFFFC000  }
0x49: {  	[hbm4b:s4+s2] =	stream.linear.scatter [tilespmem:s17], [sflag:$0x6], $0x4000, $0x38;
	[tilespmem:$0x11E00] =	vst v63  }
0x4a: {  	_ =	swait.ge [sflag:s24], $0x4000  }
0x4b: {  	[sflag:s24] =	ssyncset.done $0x0  }
0x4c: {  	s4 =	sadd.s32 s20, s12;
	[sflag:s24] =	ssyncadd.s32 $0xFFFFC000  }
0x4d: {  	[hbm4b:s4+s2] =	stream.linear.scatter [tilespmem:s19], [sflag:$0x7], $0x4000, $0x38;
	[tilespmem:$0x11E00] =	vst v63  }
0x4e: {  	_ =	swait.ge [sflag:s25], $0x4000  }
0x4f: {  	[sflag:s25] =	ssyncset.done $0x0  }
0x50: {  	s4 =	sadd.s32 s20, s11;
	[sflag:s25] =	ssyncadd.s32 $0xFFFFC000  }
0x51: {  	[hbm4b:s4+s2] =	stream.linear.scatter [tilespmem:s21], [sflag:$0x8], $0x4000, $0x38;
	[tilespmem:$0x11E00] =	vst v63  }
0x52: {  	_ =	swait.ge [sflag:s26], $0x4000  }
0x53: {  	[sflag:s26] =	ssyncset.done $0x0  }
0x54: {  	s4 =	sadd.s32 $0xFFFFFE80, s18;
	[sflag:s26] =	ssyncadd.s32 $0xFFFFC000  }
0x55: {  	[tilespmem:s16], [sflag:$0x1] =	stream.indirect.gather [hbm4b:s3+s15], $0x80, s4, s15, $0xb8;
	[tilespmem:$0x11E00] =	vst v63  }
0x56: {  	_ =	swait.ge [sflag:s28], $0x4000  }
0x57: {  	[sflag:s28] =	ssyncset.done $0x0  }
0x58: {  	s4 =	sadd.s32 $0xFFFFFF00, s18;
	[sflag:s28] =	ssyncadd.s32 $0xFFFFC000  }
0x59: {  	[tilespmem:s17], [sflag:$0x2] =	stream.indirect.gather [hbm4b:s3+s15], $0x80, s4, s15, $0xb8;
	[tilespmem:$0x11E00] =	vst v63  }
0x5a: {  	_ =	swait.ge [sflag:s29], $0x4000  }
0x5b: {  	[sflag:s29] =	ssyncset.done $0x0  }
.Ltmp0:
0x5c: {  	s4 =	sadd.s32 $0xFFFFFF80, s18;
	[sflag:s29] =	ssyncadd.s32 $0xFFFFC000;
	(pc) =	sbr.rel @p0 .LBB2_2-.Ltmp0, $4  }
0x5d: {  	[tilespmem:s19], [sflag:$0x3] =	stream.indirect.gather [hbm4b:s3+s15], $0x80, s4, s15, $0xb8;
	[tilespmem:$0x11E00] =	vst v63  }
0x5e: {  	_ =	swait.ge [sflag:s30], $0x4000  }
0x5f: {  	[sflag:s30] =	ssyncset.done $0x0  }
0x60: {  	s18 =	sadd.s32 $0x200, s18;
	[sflag:s30] =	ssyncadd.s32 $0xFFFFC000  }
0x61: {  	[tilespmem:s21], [sflag:$0x4] =	stream.indirect.gather [hbm4b:s3+s15], $0x80, s0, s15, $0xb8;
	[tilespmem:$0x11E00] =	vst v63  }
0x62: {  	_ =	swait.ge [sflag:s22], $0x4000  }
0x63: {  	[sflag:s22] =	ssyncset.done $0x0  }
0x64: {  	[sflag:s22] =	ssyncadd.s32 $0xFFFFC000  }
0x65: {  	[hbm4b:s5+s2] =	stream.linear.scatter [tilespmem:s16], [sflag:$0x5], $0x4000, $0x38;
	[tilespmem:$0x11E00] =	vst v63  }
0x66: {  	_ =	swait.ge [sflag:s23], $0x4000  }
0x67: {  	[sflag:s23] =	ssyncset.done $0x0  }
0x68: {  	[sflag:s23] =	ssyncadd.s32 $0xFFFFC000  }
0x69: {  	[hbm4b:s6+s2] =	stream.linear.scatter [tilespmem:s17], [sflag:$0x6], $0x4000, $0x38;
	[tilespmem:$0x11E00] =	vst v63  }
0x6a: {  	_ =	swait.ge [sflag:s24], $0x4000  }
0x6b: {  	[sflag:s24] =	ssyncset.done $0x0  }
0x6c: {  	[sflag:s24] =	ssyncadd.s32 $0xFFFFC000  }
0x6d: {  	[hbm4b:s7+s2] =	stream.linear.scatter [tilespmem:s19], [sflag:$0x7], $0x4000, $0x38;
	[tilespmem:$0x11E00] =	vst v63  }
0x6e: {  	_ =	swait.ge [sflag:s25], $0x4000  }
0x6f: {  	[sflag:s25] =	ssyncset.done $0x0  }
0x70: {  	[sflag:s25] =	ssyncadd.s32 $0xFFFFC000  }
0x71: {  	[hbm4b:s8+s2] =	stream.linear.scatter [tilespmem:s21], [sflag:$0x8], $0x4000, $0x38;
	[tilespmem:$0x11E00] =	vst v63  }
0x72: {  	_ =	swait.ge [sflag:s26], $0x4000  }
0x73: {  	[sflag:s26] =	ssyncset.done $0x0  }
0x74: {  	[sflag:s26] =	ssyncadd.s32 $0xFFFFC000  }
0x75: {  	_ =	swait.ge [sflag:s28], $0x4000  }
0x76: {  	[sflag:s28] =	ssyncset.done $0x0  }
0x77: {  	s31 =	sadd.s32 $0x1, s31;
	[sflag:s28] =	ssyncadd.s32 $0xFFFFC000  }
0x78: {  	p0 =	sne.s32 s31, s9;
	_ =	swait.ge [sflag:s29], $0x4000  }
.Ltmp1:
0x79: {  	[sflag:s29] =	ssyncset.done $0x0;
	(pc) =	sbr.rel @p0 .LBB2_1-.Ltmp1, $4  }
0x7a: {  	[sflag:s29] =	ssyncadd.s32 $0xFFFFC000  }
0x7b: {  	_ =	swait.ge [sflag:s30], $0x4000  }
0x7c: {  	[sflag:s30] =	ssyncset.done $0x0  }
0x7d: {  	[sflag:s30] =	ssyncadd.s32 $0xFFFFC000  }
0x7e: {  	_ =	sfence.sel $0x180000  }
0x7f: {  	[bflag:$0x0] =	sbarrier.arrive $0xFFFF  }
0x80: {  	_ =	strace $0x90000047  }
0x81: {  	s0 =	stileid.u32;
	[bflag:$0x2] =	sbarrier.arrive $0xFFFF  }
0x82: {  	p0 =	sne.s32 s0, $0x0;
	s0 =	rddreg [dreg:$0x2]  }
0x83: {  	s0 =	sadd.s32 @!p0 $0x100000, s0  }
0x84: {  	[sflag:s0] =	ssyncadd.tile.s32 @!p0 $0x1;
	_ =	shalt  }
.Lfunc_end2:
_tile_overlayer_lowered:
.L_overlay_start_2:
0x85: {  	(tag) =	ssettag $0x2  }
0x86: {  	s0 =	rddreg [dreg:$0x0];
	s2 =	stileid.u32  }
0x87: {  	s1 =	rddreg [dreg:$0x1];
	p0 =	sne.s32 s2, $0x0  }
0x88: {  	s3 =	rddreg [dreg:$0x2];
	[bflag:$0x3] =	sbarrier.arrive $0xFFFF;
	s2 =	simm.s32 @!p0 $0x1C09  }
0x89: {  	[timem:s3], [sflag:s2] =	dma.local @!p0 [hbm:s0], s1  }
0x8a: {  	s0 =	simm.s32 @!p0 $0x9  }
0x8b: {  	_ =	swait.ge @!p0 [sflag:s0], s1  }
0x8c: {  	s1 =	ssub.s32 @!p0 $0x0, s1;
	[sflag:s0] =	ssyncset.done @!p0 $0x0  }
0x8d: {  	[sflag:s0] =	ssyncadd.s32 @!p0 s1  }
0x8e: {  	[bflag:$0x3] =	sbarrier.arrive $0xFFFF  }
0x8f: {  	_ =	shalt  }

</sc_bundles>
